<compile_context>
chip_gen: v7x
topology: tpu7x:2x2x1
jax: 0.10.2.dev20260603
libtpu: 0.0.44.dev20260713+nightly
codegen_flags: <defaults>
</compile_context>

<pallas_src>
import functools

import jax
import jax.numpy as jnp
from jax import lax
from jax.experimental import pallas as pl
from jax.experimental.pallas import tpu as pltpu
from jax.experimental.pallas import tpu_sc as plsc

LPAD = 52
RR = LPAD // 4



def _sc_gather(item_table, user_table, hist_idx_perm, user_idx):
    B = user_idx.shape[0]
    D = item_table.shape[1]

    info = plsc.get_sparse_core_info()
    NC, NS = info.num_cores, info.num_subcores
    NW = NC * NS

    b_per_w = B // NW
    NB = 32
    CH = NB * LPAD
    n_chunks = b_per_w // NB
    n_sub = CH // 128

    u_per_w = B // NW

    mesh = plsc.VectorSubcoreMesh(core_axis_name="c", subcore_axis_name="s")

    @functools.partial(
        pl.kernel,
        mesh=mesh,
        out_type=[
            jax.ShapeDtypeStruct((RR, B * 4, D), jnp.float32),
            jax.ShapeDtypeStruct((B, D), jnp.float32),
        ],
        scratch_types=[
            pltpu.VMEM((CH,), jnp.int32),
            pltpu.VMEM((CH, D), jnp.float32),
            pltpu.SemaphoreType.DMA,
            pltpu.SemaphoreType.DMA,
        ],
        compiler_params=pltpu.CompilerParams(use_tc_tiling_on_sc=False),
    )
    def k(item_hbm, user_hbm, hidx_hbm, uidx_hbm, hout_hbm, uout_hbm,
          idx_v, rows_v, sem, wsem):
        wid = lax.axis_index("s") * NC + lax.axis_index("c")

        def hist_chunk(i, carry):
            c = wid * n_chunks + i
            b0 = wid * b_per_w + i * NB
            pltpu.sync_copy(hidx_hbm.at[pl.ds(c * CH, CH)], idx_v)
            copies = []
            for j in range(n_sub):
                copies.append(pltpu.async_copy(
                    item_hbm.at[idx_v.at[pl.ds(j * 128, 128)]],
                    rows_v.at[pl.ds(j * 128, 128)],
                    sem,
                ))
            for cp in copies:
                cp.wait()
            wcopies = []
            for rr in range(RR):
                wcopies.append(pltpu.async_copy(
                    rows_v.at[pl.ds(rr * 4 * NB, 4 * NB)],
                    hout_hbm.at[rr, pl.ds(b0 * 4, 4 * NB)],
                    wsem,
                ))
            for cp in wcopies:
                cp.wait()
            return carry

        lax.fori_loop(0, n_chunks, hist_chunk, 0)

        ub = wid * u_per_w
        pltpu.sync_copy(uidx_hbm.at[pl.ds(ub, u_per_w)], idx_v.at[pl.ds(0, u_per_w)])
        copies = []
        for j in range(u_per_w // 128):
            copies.append(pltpu.async_copy(
                user_hbm.at[idx_v.at[pl.ds(j * 128, 128)]],
                rows_v.at[pl.ds(j * 128, 128)],
                sem,
            ))
        for c in copies:
            c.wait()
        pltpu.sync_copy(rows_v.at[pl.ds(0, u_per_w)],
                        uout_hbm.at[pl.ds(ub, u_per_w)])

    return k(item_table, user_table, hist_idx_perm, user_idx)



def _dense_body(hist_ref, hid_ref, uemb_ref, uid_ref,
                wqt_ref, bq_ref, wk_ref, bk_ref,
                w1ta_ref, w1tb_ref, b1_ref, w2t_ref, b2_ref, out_ref):
    BB = hid_ref.shape[0]
    D = 32
    C = LPAD * D

    m = hid_ref[...] != 0
    mf = m.astype(jnp.float32)

    Xcat = jnp.concatenate([hist_ref[rr] for rr in range(RR)], axis=1)

    ci = lambda sh, dim: lax.broadcasted_iota(jnp.int32, sh, dim)
    E = (ci((LPAD, C), 1) // D == ci((LPAD, C), 0)).astype(jnp.float32)
    ET = (ci((C, LPAD), 0) // D == ci((C, LPAD), 1)).astype(jnp.float32)
    F = (ci((C, D), 0) % D == ci((C, D), 1)).astype(jnp.float32)
    FT = (ci((D, C), 1) % D == ci((D, C), 0)).astype(jnp.float32)

    mm = functools.partial(jnp.dot, preferred_element_type=jnp.float32)

    mf_exp = mm(mf, E)
    sum_hist = mm(Xcat * mf_exp, F)
    count = jnp.maximum(jnp.sum(mf, axis=1, keepdims=True), 1.0)
    query = mm(sum_hist / count, wqt_ref[...]) + bq_ref[...]

    qk = mm(query, wk_ref[...])
    s0 = jnp.sum(query * bk_ref[...], axis=1, keepdims=True)

    scores = mm(Xcat * mm(qk, FT), ET) + s0
    scores = jnp.where(m, scores, -1e9)
    mx = jnp.max(scores, axis=1, keepdims=True)
    e = jnp.exp(scores - mx)
    w = e / jnp.sum(e, axis=1, keepdims=True)

    hist_vec = mm(Xcat * (mm(w, E) * mf_exp), F)

    uemb = uemb_ref[...] * (uid_ref[...] != 0).astype(jnp.float32)
    h = jnp.maximum(
        jnp.dot(uemb, w1ta_ref[...], preferred_element_type=jnp.float32)
        + jnp.dot(hist_vec, w1tb_ref[...], preferred_element_type=jnp.float32)
        + b1_ref[...], 0.0)
    out = (jnp.dot(h, w2t_ref[...], preferred_element_type=jnp.float32)
           + b2_ref[...])
    norm = jnp.sqrt(jnp.sum(out * out, axis=1, keepdims=True))
    out_ref[...] = out / jnp.maximum(norm, 1e-12)


def _tc_dense(hist_slabs, hid52, user_emb, user_id,
              WqT, bq, Wk, bk, W1Ta, W1Tb, b1, W2T, b2, block_b=256):
    B = hid52.shape[0]
    D = 32
    H = W2T.shape[0]
    grid = (B // block_b,)

    full = lambda shape: pl.BlockSpec(shape, lambda i: (0,) * len(shape))
    return pl.pallas_call(
        _dense_body,
        grid=grid,
        in_specs=[
            pl.BlockSpec((RR, block_b, 128), lambda i: (0, i, 0)),
            pl.BlockSpec((block_b, LPAD), lambda i: (i, 0)),
            pl.BlockSpec((block_b, D), lambda i: (i, 0)),
            pl.BlockSpec((block_b, 1), lambda i: (i, 0)),
            full((D, D)), full((1, D)),
            full((D, D)), full((1, D)),
            full((D, H)), full((D, H)), full((1, H)),
            full((H, D)), full((1, D)),
        ],
        out_specs=pl.BlockSpec((block_b, D), lambda i: (i, 0)),
        out_shape=jax.ShapeDtypeStruct((B, D), jnp.float32),
    )(hist_slabs, hid52, user_emb, user_id,
      WqT, bq, Wk, bk, W1Ta, W1Tb, b1, W2T, b2)



def kernel(user_table, item_table, Wq, bq, Wk, bk, W1, b1, W2, b2,
           user_id, hist_article_id):
    B, L = hist_article_id.shape
    D = user_table.shape[1]
    H = W1.shape[0]

    uid = user_id.astype(jnp.int32)
    hid = hist_article_id.astype(jnp.int32)
    hid52 = jnp.pad(hid, ((0, 0), (0, LPAD - L)))

    NB = 32
    hid_perm = (hid52.reshape(B // NB, NB, RR, 4)
                .transpose(0, 2, 1, 3).reshape(B * LPAD))

    hist4, user_emb = _sc_gather(item_table, user_table, hid_perm, uid)
    hist_slabs = hist4.reshape(RR, B, 128)

    W1T = W1.T
    return _tc_dense(
        hist_slabs, hid52, user_emb, uid.reshape(B, 1),
        Wq.T, bq.reshape(1, D), Wk, bk.reshape(1, D),
        W1T[:D], W1T[D:], b1.reshape(1, H), W2.T, b2.reshape(1, D),
    )

# --- scband reference (transcript-rebuilt; emitter-appended) ---
"""Pipeline reference for scband-you-tube-dnnmodel-35639638622818 (READ-ONLY COPY).

The authoritative reference and input builder live on the scoring server;
editing this copy changes nothing except your own understanding.
"""

import jax, jax.numpy as jnp
import numpy as np

B, L, D = 16384, 50, 32
NU, NI = 1000000, 1000000
H = 128

def setup_inputs(seed: int = 0) -> dict:
    key = jax.random.key(seed)
    ks = jax.random.split(key, 12)
    user_id = jax.random.randint(ks[0], (B,), 0, NU)
    hist_article_id = jax.random.randint(ks[1], (B, L), 0, NI)
    user_table = jax.random.normal(ks[2], (NU, D), dtype=jnp.float32) * 0.01
    item_table = jax.random.normal(ks[3], (NI, D), dtype=jnp.float32) * 0.01
    Wq = jax.random.normal(ks[4], (D, D), dtype=jnp.float32) * (1.0 / np.sqrt(D))
    bq = jnp.zeros((D,), dtype=jnp.float32)
    Wk = jax.random.normal(ks[5], (D, D), dtype=jnp.float32) * (1.0 / np.sqrt(D))
    bk = jnp.zeros((D,), dtype=jnp.float32)
    W1 = jax.random.normal(ks[6], (H, 2 * D), dtype=jnp.float32) * (1.0 / np.sqrt(2 * D))
    b1 = jnp.zeros((H,), dtype=jnp.float32)
    W2 = jax.random.normal(ks[7], (D, H), dtype=jnp.float32) * (1.0 / np.sqrt(H))
    b2 = jnp.zeros((D,), dtype=jnp.float32)
    return {"user_table": user_table, "item_table": item_table, "Wq": Wq, "bq": bq,
            "Wk": Wk, "bk": bk, "W1": W1, "b1": b1, "W2": W2, "b2": b2,
            "user_id": user_id, "hist_article_id": hist_article_id}

def reference(user_table, item_table, Wq, bq, Wk, bk, W1, b1, W2, b2, user_id, hist_article_id):
    # padding_idx=0 semantics: row 0 of each table is zero
    user_table = user_table.at[0].set(0.0)
    item_table = item_table.at[0].set(0.0)
    # embedding lookups (gather)
    user_emb = jnp.take(user_table, user_id, axis=0)            # [B, D]
    hist_emb = jnp.take(item_table, hist_article_id, axis=0)    # [B, L, D]
    mask = (hist_article_id != 0)                                # [B, L]
    # attention_pooling
    m = mask[..., None].astype(jnp.float32)
    masked_hist = hist_emb * m
    sum_hist = jnp.sum(masked_hist, axis=1)                      # [B, D]
    count = jnp.clip(jnp.sum(mask, axis=1, keepdims=True).astype(jnp.float32), 1.0, None)
    query = sum_hist / count
    query = query @ Wq.T + bq                                    # query_proj
    keys = hist_emb @ Wk.T + bk                                  # key_proj
    scores = jnp.sum(keys * query[:, None, :], axis=-1)          # [B, L]
    scores = jnp.where(mask, scores, -1000000000.0)
    weights = jax.nn.softmax(scores, axis=1)
    hist_vec = jnp.sum(hist_emb * weights[..., None], axis=1)    # [B, D]
    # user DNN
    user_vec = jnp.concatenate([user_emb, hist_vec], axis=-1)    # [B, 2D]
    h = jax.nn.relu(user_vec @ W1.T + b1)
    out = h @ W2.T + b2                                          # [B, D]
    # F.normalize(dim=1)
    norm = jnp.clip(jnp.linalg.norm(out, axis=1, keepdims=True), 1e-12, None)
    return out / norm

if __name__ == "__main__":
    import jax
    _d = setup_inputs()
    print(jax.jit(kernel)(*tuple(_d.values())))

</pallas_src>

<mosaic_0001>
#map = affine_map<(d0, d1) -> (0, 0)>
#map1 = affine_map<(d0, d1) -> (0)>
#map2 = affine_map<(d0, d1) -> (0, 0, 0)>
module attributes {stable_mosaic.version = 14 : i64} {
  func.func @k(%arg0: i32, %arg1: i32, %arg2: memref<1000000x32xf32, #tpu.memory_space<hbm>>, %arg3: memref<1000000x32xf32, #tpu.memory_space<hbm>>, %arg4: memref<851968xi32, #tpu.memory_space<hbm>>, %arg5: memref<16384xi32, #tpu.memory_space<hbm>>, %arg6: memref<13x65536x32xf32, #tpu.memory_space<hbm>>, %arg7: memref<16384x32xf32, #tpu.memory_space<hbm>>, %arg8: memref<1664xi32, #tpu.memory_space<vmem>>, %arg9: memref<1664x32xf32, #tpu.memory_space<vmem>>, %arg10: memref<!tpu.dma_semaphore, #tpu.memory_space<semaphore_mem>>, %arg11: memref<!tpu.dma_semaphore, #tpu.memory_space<semaphore_mem>>) attributes {dimension_semantics = [#tpu.dimension_semantics<core_parallel>, #tpu.dimension_semantics<subcore_parallel>], iteration_bounds = array<i64: 2, 16>, scalar_prefetch = 0 : i64, scratch_operands = 4 : i64, tpu.core_type = #tpu.core_type<sc_vector_subcore>, window_params = [{transform_indices = #map}, {transform_indices = #map}, {transform_indices = #map1}, {transform_indices = #map1}, {transform_indices = #map2}, {transform_indices = #map}]} {
    %mul3A = arith.constant 2 : i32
    %mul3A_0 = arith.muli %arg1, %mul3A : i32
    %add3A = arith.addi %mul3A_0, %arg0 : i32
    %scan3A = arith.constant 0 : i32
    %scan3A_1 = arith.constant 0 : i32
    %scan3A_2 = arith.constant 16 : i32
    %scan3A_3 = arith.addi %scan3A_1, %scan3A_2 : i32
    %scan3A_4 = arith.constant 1 : i32
    scf.for %scan3A_70 = %scan3A_1 to %scan3A_3 step %scan3A_4  : i32 {
      %mul3A_71 = arith.constant 16 : i32
      %mul3A_72 = arith.muli %add3A, %mul3A_71 : i32
      %add3A_73 = arith.addi %mul3A_72, %scan3A_70 : i32
      %mul3A_74 = arith.constant 512 : i32
      %mul3A_75 = arith.muli %add3A, %mul3A_74 : i32
      %mul3A_76 = arith.constant 32 : i32
      %mul3A_77 = arith.muli %scan3A_70, %mul3A_76 : i32
      %add3A_78 = arith.addi %mul3A_75, %mul3A_77 : i32
      %mul3A_79 = arith.constant 1664 : i32
      %mul3A_80 = arith.muli %add3A_73, %mul3A_79 : i32
      "tpu.region"() ({
        %run_scoped3A = tpu.sem_alloc : memref<!tpu.dma_semaphore, #tpu.memory_space<semaphore_mem>>
        %dma_start3A_653 = tpu.memref_slice %arg4[%mul3A_80] : memref<851968xi32, #tpu.memory_space<hbm>> -> memref<1664xi32, #tpu.memory_space<hbm>>
        %dma_start3A_654 = tpu.memref_slice %arg4[%mul3A_80] : memref<851968xi32, #tpu.memory_space<hbm>> -> memref<1664xi32, #tpu.memory_space<hbm>>
        tpu.enqueue_dma source(%dma_start3A_654 : memref<1664xi32, #tpu.memory_space<hbm>>) target(%arg8 : memref<1664xi32, #tpu.memory_space<vmem>>) target_semaphore(%run_scoped3A : memref<!tpu.dma_semaphore, #tpu.memory_space<semaphore_mem>>)
        %dma_wait3A_655 = tpu.memref_slice %arg4[%mul3A_80] : memref<851968xi32, #tpu.memory_space<hbm>> -> memref<1664xi32, #tpu.memory_space<hbm>>
        %dma_wait3A_656 = tpu.memref_slice %arg4[%mul3A_80] : memref<851968xi32, #tpu.memory_space<hbm>> -> memref<1664xi32, #tpu.memory_space<hbm>>
        tpu.wait_dma2 semaphore(%run_scoped3A : memref<!tpu.dma_semaphore, #tpu.memory_space<semaphore_mem>>) src(%dma_wait3A_656 : memref<1664xi32, #tpu.memory_space<hbm>>) dst(%arg8 : memref<1664xi32, #tpu.memory_space<vmem>>)
        tpu.yield
      }) : () -> ()
      %dma_start3A_81 = arith.constant 0 : i32
      %dma_start3A_82 = arith.constant 0 : i32
      %dma_start3A_83 = tpu.memref_slice %arg9[%dma_start3A_81, %dma_start3A_82] : memref<1664x32xf32, #tpu.memory_space<vmem>> -> memref<128x32xf32, #tpu.memory_space<vmem>>
      %dma_start3A_84 = arith.constant 0 : i32
      %dma_start3A_85 = tpu.memref_slice %arg8[%dma_start3A_84] : memref<1664xi32, #tpu.memory_space<vmem>> -> memref<128xi32, #tpu.memory_space<vmem>>
      %dma_start3A_86 = arith.constant 0 : i32
      %dma_start3A_87 = arith.constant 0 : i32
      %dma_start3A_88 = tpu.memref_slice %arg2[%dma_start3A_86, %dma_start3A_87] : memref<1000000x32xf32, #tpu.memory_space<hbm>> -> memref<1000000x32xf32, #tpu.memory_space<hbm>>
      tpu.enqueue_indirect_dma source(%dma_start3A_88 : memref<1000000x32xf32, #tpu.memory_space<hbm>>) target(%dma_start3A_83 : memref<128x32xf32, #tpu.memory_space<vmem>>) offsets(%dma_start3A_85 : memref<128xi32, #tpu.memory_space<vmem>>) semaphore(%arg10 : memref<!tpu.dma_semaphore, #tpu.memory_space<semaphore_mem>>)
      %dma_start3A_89 = arith.constant 128 : i32
      %dma_start3A_90 = arith.constant 0 : i32
      %dma_start3A_91 = tpu.memref_slice %arg9[%dma_start3A_89, %dma_start3A_90] : memref<1664x32xf32, #tpu.memory_space<vmem>> -> memref<128x32xf32, #tpu.memory_space<vmem>>
      %dma_start3A_92 = arith.constant 128 : i32
      %dma_start3A_93 = tpu.memref_slice %arg8[%dma_start3A_92] : memref<1664xi32, #tpu.memory_space<vmem>> -> memref<128xi32, #tpu.memory_space<vmem>>
      %dma_start3A_94 = arith.constant 0 : i32
      %dma_start3A_95 = arith.constant 0 : i32
      %dma_start3A_96 = tpu.memref_slice %arg2[%dma_start3A_94, %dma_start3A_95] : memref<1000000x32xf32, #tpu.memory_space<hbm>> -> memref<1000000x32xf32, #tpu.memory_space<hbm>>
      tpu.enqueue_indirect_dma source(%dma_start3A_96 : memref<1000000x32xf32, #tpu.memory_space<hbm>>) target(%dma_start3A_91 : memref<128x32xf32, #tpu.memory_space<vmem>>) offsets(%dma_start3A_93 : memref<128xi32, #tpu.memory_space<vmem>>) semaphore(%arg10 : memref<!tpu.dma_semaphore, #tpu.memory_space<semaphore_mem>>)
      %dma_start3A_97 = arith.constant 256 : i32
      %dma_start3A_98 = arith.constant 0 : i32
      %dma_start3A_99 = tpu.memref_slice %arg9[%dma_start3A_97, %dma_start3A_98] : memref<1664x32xf32, #tpu.memory_space<vmem>> -> memref<128x32xf32, #tpu.memory_space<vmem>>
      %dma_start3A_100 = arith.constant 256 : i32
      %dma_start3A_101 = tpu.memref_slice %arg8[%dma_start3A_100] : memref<1664xi32, #tpu.memory_space<vmem>> -> memref<128xi32, #tpu.memory_space<vmem>>
      %dma_start3A_102 = arith.constant 0 : i32
      %dma_start3A_103 = arith.constant 0 : i32
      %dma_start3A_104 = tpu.memref_slice %arg2[%dma_start3A_102, %dma_start3A_103] : memref<1000000x32xf32, #tpu.memory_space<hbm>> -> memref<1000000x32xf32, #tpu.memory_space<hbm>>
      tpu.enqueue_indirect_dma source(%dma_start3A_104 : memref<1000000x32xf32, #tpu.memory_space<hbm>>) target(%dma_start3A_99 : memref<128x32xf32, #tpu.memory_space<vmem>>) offsets(%dma_start3A_101 : memref<128xi32, #tpu.memory_space<vmem>>) semaphore(%arg10 : memref<!tpu.dma_semaphore, #tpu.memory_space<semaphore_mem>>)
      %dma_start3A_105 = arith.constant 384 : i32
      %dma_start3A_106 = arith.constant 0 : i32
      %dma_start3A_107 = tpu.memref_slice %arg9[%dma_start3A_105, %dma_start3A_106] : memref<1664x32xf32, #tpu.memory_space<vmem>> -> memref<128x32xf32, #tpu.memory_space<vmem>>
      %dma_start3A_108 = arith.constant 384 : i32
      %dma_start3A_109 = tpu.memref_slice %arg8[%dma_start3A_108] : memref<1664xi32, #tpu.memory_space<vmem>> -> memref<128xi32, #tpu.memory_space<vmem>>
      %dma_start3A_110 = arith.constant 0 : i32
      %dma_start3A_111 = arith.constant 0 : i32
      %dma_start3A_112 = tpu.memref_slice %arg2[%dma_start3A_110, %dma_start3A_111] : memref<1000000x32xf32, #tpu.memory_space<hbm>> -> memref<1000000x32xf32, #tpu.memory_space<hbm>>
      tpu.enqueue_indirect_dma source(%dma_start3A_112 : memref<1000000x32xf32, #tpu.memory_space<hbm>>) target(%dma_start3A_107 : memref<128x32xf32, #tpu.memory_space<vmem>>) offsets(%dma_start3A_109 : memref<128xi32, #tpu.memory_space<vmem>>) semaphore(%arg10 : memref<!tpu.dma_semaphore, #tpu.memory_space<semaphore_mem>>)
      %dma_start3A_113 = arith.constant 512 : i32
      %dma_start3A_114 = arith.constant 0 : i32
      %dma_start3A_115 = tpu.memref_slice %arg9[%dma_start3A_113, %dma_start3A_114] : memref<1664x32xf32, #tpu.memory_space<vmem>> -> memref<128x32xf32, #tpu.memory_space<vmem>>
      %dma_start3A_116 = arith.constant 512 : i32
      %dma_start3A_117 = tpu.memref_slice %arg8[%dma_start3A_116] : memref<1664xi32, #tpu.memory_space<vmem>> -> memref<128xi32, #tpu.memory_space<vmem>>
      %dma_start3A_118 = arith.constant 0 : i32
      %dma_start3A_119 = arith.constant 0 : i32
      %dma_start3A_120 = tpu.memref_slice %arg2[%dma_start3A_118, %dma_start3A_119] : memref<1000000x32xf32, #tpu.memory_space<hbm>> -> memref<1000000x32xf32, #tpu.memory_space<hbm>>
      tpu.enqueue_indirect_dma source(%dma_start3A_120 : memref<1000000x32xf32, #tpu.memory_space<hbm>>) target(%dma_start3A_115 : memref<128x32xf32, #tpu.memory_space<vmem>>) offsets(%dma_start3A_117 : memref<128xi32, #tpu.memory_space<vmem>>) semaphore(%arg10 : memref<!tpu.dma_semaphore, #tpu.memory_space<semaphore_mem>>)
      %dma_start3A_121 = arith.constant 640 : i32
      %dma_start3A_122 = arith.constant 0 : i32
      %dma_start3A_123 = tpu.memref_slice %arg9[%dma_start3A_121, %dma_start3A_122] : memref<1664x32xf32, #tpu.memory_space<vmem>> -> memref<128x32xf32, #tpu.memory_space<vmem>>
      %dma_start3A_124 = arith.constant 640 : i32
      %dma_start3A_125 = tpu.memref_slice %arg8[%dma_start3A_124] : memref<1664xi32, #tpu.memory_space<vmem>> -> memref<128xi32, #tpu.memory_space<vmem>>
      %dma_start3A_126 = arith.constant 0 : i32
      %dma_start3A_127 = arith.constant 0 : i32
      %dma_start3A_128 = tpu.memref_slice %arg2[%dma_start3A_126, %dma_start3A_127] : memref<1000000x32xf32, #tpu.memory_space<hbm>> -> memref<1000000x32xf32, #tpu.memory_space<hbm>>
      tpu.enqueue_indirect_dma source(%dma_start3A_128 : memref<1000000x32xf32, #tpu.memory_space<hbm>>) target(%dma_start3A_123 : memref<128x32xf32, #tpu.memory_space<vmem>>) offsets(%dma_start3A_125 : memref<128xi32, #tpu.memory_space<vmem>>) semaphore(%arg10 : memref<!tpu.dma_semaphore, #tpu.memory_space<semaphore_mem>>)
      %dma_start3A_129 = arith.constant 768 : i32
      %dma_start3A_130 = arith.constant 0 : i32
      %dma_start3A_131 = tpu.memref_slice %arg9[%dma_start3A_129, %dma_start3A_130] : memref<1664x32xf32, #tpu.memory_space<vmem>> -> memref<128x32xf32, #tpu.memory_space<vmem>>
      %dma_start3A_132 = arith.constant 768 : i32
      %dma_start3A_133 = tpu.memref_slice %arg8[%dma_start3A_132] : memref<1664xi32, #tpu.memory_space<vmem>> -> memref<128xi32, #tpu.memory_space<vmem>>
      %dma_start3A_134 = arith.constant 0 : i32
      %dma_start3A_135 = arith.constant 0 : i32
      %dma_start3A_136 = tpu.memref_slice %arg2[%dma_start3A_134, %dma_start3A_135] : memref<1000000x32xf32, #tpu.memory_space<hbm>> -> memref<1000000x32xf32, #tpu.memory_space<hbm>>
      tpu.enqueue_indirect_dma source(%dma_start3A_136 : memref<1000000x32xf32, #tpu.memory_space<hbm>>) target(%dma_start3A_131 : memref<128x32xf32, #tpu.memory_space<vmem>>) offsets(%dma_start3A_133 : memref<128xi32, #tpu.memory_space<vmem>>) semaphore(%arg10 : memref<!tpu.dma_semaphore, #tpu.memory_space<semaphore_mem>>)
      %dma_start3A_137 = arith.constant 896 : i32
      %dma_start3A_138 = arith.constant 0 : i32
      %dma_start3A_139 = tpu.memref_slice %arg9[%dma_start3A_137, %dma_start3A_138] : memref<1664x32xf32, #tpu.memory_space<vmem>> -> memref<128x32xf32, #tpu.memory_space<vmem>>
      %dma_start3A_140 = arith.constant 896 : i32
      %dma_start3A_141 = tpu.memref_slice %arg8[%dma_start3A_140] : memref<1664xi32, #tpu.memory_space<vmem>> -> memref<128xi32, #tpu.memory_space<vmem>>
      %dma_start3A_142 = arith.constant 0 : i32
      %dma_start3A_143 = arith.constant 0 : i32
      %dma_start3A_144 = tpu.memref_slice %arg2[%dma_start3A_142, %dma_start3A_143] : memref<1000000x32xf32, #tpu.memory_space<hbm>> -> memref<1000000x32xf32, #tpu.memory_space<hbm>>
      tpu.enqueue_indirect_dma source(%dma_start3A_144 : memref<1000000x32xf32, #tpu.memory_space<hbm>>) target(%dma_start3A_139 : memref<128x32xf32, #tpu.memory_space<vmem>>) offsets(%dma_start3A_141 : memref<128xi32, #tpu.memory_space<vmem>>) semaphore(%arg10 : memref<!tpu.dma_semaphore, #tpu.memory_space<semaphore_mem>>)
      %dma_start3A_145 = arith.constant 1024 : i32
      %dma_start3A_146 = arith.constant 0 : i32
      %dma_start3A_147 = tpu.memref_slice %arg9[%dma_start3A_145, %dma_start3A_146] : memref<1664x32xf32, #tpu.memory_space<vmem>> -> memref<128x32xf32, #tpu.memory_space<vmem>>
      %dma_start3A_148 = arith.constant 1024 : i32
      %dma_start3A_149 = tpu.memref_slice %arg8[%dma_start3A_148] : memref<1664xi32, #tpu.memory_space<vmem>> -> memref<128xi32, #tpu.memory_space<vmem>>
      %dma_start3A_150 = arith.constant 0 : i32
      %dma_start3A_151 = arith.constant 0 : i32
      %dma_start3A_152 = tpu.memref_slice %arg2[%dma_start3A_150, %dma_start3A_151] : memref<1000000x32xf32, #tpu.memory_space<hbm>> -> memref<1000000x32xf32, #tpu.memory_space<hbm>>
      tpu.enqueue_indirect_dma source(%dma_start3A_152 : memref<1000000x32xf32, #tpu.memory_space<hbm>>) target(%dma_start3A_147 : memref<128x32xf32, #tpu.memory_space<vmem>>) offsets(%dma_start3A_149 : memref<128xi32, #tpu.memory_space<vmem>>) semaphore(%arg10 : memref<!tpu.dma_semaphore, #tpu.memory_space<semaphore_mem>>)
      %dma_start3A_153 = arith.constant 1152 : i32
      %dma_start3A_154 = arith.constant 0 : i32
      %dma_start3A_155 = tpu.memref_slice %arg9[%dma_start3A_153, %dma_start3A_154] : memref<1664x32xf32, #tpu.memory_space<vmem>> -> memref<128x32xf32, #tpu.memory_space<vmem>>
      %dma_start3A_156 = arith.constant 1152 : i32
      %dma_start3A_157 = tpu.memref_slice %arg8[%dma_start3A_156] : memref<1664xi32, #tpu.memory_space<vmem>> -> memref<128xi32, #tpu.memory_space<vmem>>
      %dma_start3A_158 = arith.constant 0 : i32
      %dma_start3A_159 = arith.constant 0 : i32
      %dma_start3A_160 = tpu.memref_slice %arg2[%dma_start3A_158, %dma_start3A_159] : memref<1000000x32xf32, #tpu.memory_space<hbm>> -> memref<1000000x32xf32, #tpu.memory_space<hbm>>
      tpu.enqueue_indirect_dma source(%dma_start3A_160 : memref<1000000x32xf32, #tpu.memory_space<hbm>>) target(%dma_start3A_155 : memref<128x32xf32, #tpu.memory_space<vmem>>) offsets(%dma_start3A_157 : memref<128xi32, #tpu.memory_space<vmem>>) semaphore(%arg10 : memref<!tpu.dma_semaphore, #tpu.memory_space<semaphore_mem>>)
      %dma_start3A_161 = arith.constant 1280 : i32
      %dma_start3A_162 = arith.constant 0 : i32
      %dma_start3A_163 = tpu.memref_slice %arg9[%dma_start3A_161, %dma_start3A_162] : memref<1664x32xf32, #tpu.memory_space<vmem>> -> memref<128x32xf32, #tpu.memory_space<vmem>>
      %dma_start3A_164 = arith.constant 1280 : i32
      %dma_start3A_165 = tpu.memref_slice %arg8[%dma_start3A_164] : memref<1664xi32, #tpu.memory_space<vmem>> -> memref<128xi32, #tpu.memory_space<vmem>>
      %dma_start3A_166 = arith.constant 0 : i32
      %dma_start3A_167 = arith.constant 0 : i32
      %dma_start3A_168 = tpu.memref_slice %arg2[%dma_start3A_166, %dma_start3A_167] : memref<1000000x32xf32, #tpu.memory_space<hbm>> -> memref<1000000x32xf32, #tpu.memory_space<hbm>>
      tpu.enqueue_indirect_dma source(%dma_start3A_168 : memref<1000000x32xf32, #tpu.memory_space<hbm>>) target(%dma_start3A_163 : memref<128x32xf32, #tpu.memory_space<vmem>>) offsets(%dma_start3A_165 : memref<128xi32, #tpu.memory_space<vmem>>) semaphore(%arg10 : memref<!tpu.dma_semaphore, #tpu.memory_space<semaphore_mem>>)
      %dma_start3A_169 = arith.constant 1408 : i32
      %dma_start3A_170 = arith.constant 0 : i32
      %dma_start3A_171 = tpu.memref_slice %arg9[%dma_start3A_169, %dma_start3A_170] : memref<1664x32xf32, #tpu.memory_space<vmem>> -> memref<128x32xf32, #tpu.memory_space<vmem>>
      %dma_start3A_172 = arith.constant 1408 : i32
      %dma_start3A_173 = tpu.memref_slice %arg8[%dma_start3A_172] : memref<1664xi32, #tpu.memory_space<vmem>> -> memref<128xi32, #tpu.memory_space<vmem>>
      %dma_start3A_174 = arith.constant 0 : i32
      %dma_start3A_175 = arith.constant 0 : i32
      %dma_start3A_176 = tpu.memref_slice %arg2[%dma_start3A_174, %dma_start3A_175] : memref<1000000x32xf32, #tpu.memory_space<hbm>> -> memref<1000000x32xf32, #tpu.memory_space<hbm>>
      tpu.enqueue_indirect_dma source(%dma_start3A_176 : memref<1000000x32xf32, #tpu.memory_space<hbm>>) target(%dma_start3A_171 : memref<128x32xf32, #tpu.memory_space<vmem>>) offsets(%dma_start3A_173 : memref<128xi32, #tpu.memory_space<vmem>>) semaphore(%arg10 : memref<!tpu.dma_semaphore, #tpu.memory_space<semaphore_mem>>)
      %dma_start3A_177 = arith.constant 1536 : i32
      %dma_start3A_178 = arith.constant 0 : i32
      %dma_start3A_179 = tpu.memref_slice %arg9[%dma_start3A_177, %dma_start3A_178] : memref<1664x32xf32, #tpu.memory_space<vmem>> -> memref<128x32xf32, #tpu.memory_space<vmem>>
      %dma_start3A_180 = arith.constant 1536 : i32
      %dma_start3A_181 = tpu.memref_slice %arg8[%dma_start3A_180] : memref<1664xi32, #tpu.memory_space<vmem>> -> memref<128xi32, #tpu.memory_space<vmem>>
      %dma_start3A_182 = arith.constant 0 : i32
      %dma_start3A_183 = arith.constant 0 : i32
      %dma_start3A_184 = tpu.memref_slice %arg2[%dma_start3A_182, %dma_start3A_183] : memref<1000000x32xf32, #tpu.memory_space<hbm>> -> memref<1000000x32xf32, #tpu.memory_space<hbm>>
      tpu.enqueue_indirect_dma source(%dma_start3A_184 : memref<1000000x32xf32, #tpu.memory_space<hbm>>) target(%dma_start3A_179 : memref<128x32xf32, #tpu.memory_space<vmem>>) offsets(%dma_start3A_181 : memref<128xi32, #tpu.memory_space<vmem>>) semaphore(%arg10 : memref<!tpu.dma_semaphore, #tpu.memory_space<semaphore_mem>>)
      %dma_wait3A_185 = arith.constant 0 : i32
      %dma_wait3A_186 = arith.constant 0 : i32
      %dma_wait3A_187 = tpu.memref_slice %arg9[%dma_wait3A_185, %dma_wait3A_186] : memref<1664x32xf32, #tpu.memory_space<vmem>> -> memref<128x32xf32, #tpu.memory_space<vmem>>
      %dma_wait3A_188 = arith.constant 0 : i32
      %dma_wait3A_189 = tpu.memref_slice %arg8[%dma_wait3A_188] : memref<1664xi32, #tpu.memory_space<vmem>> -> memref<128xi32, #tpu.memory_space<vmem>>
      %dma_wait3A_190 = arith.constant 0 : i32
      %dma_wait3A_191 = arith.constant 0 : i32
      %dma_wait3A_192 = tpu.memref_slice %arg2[%dma_wait3A_190, %dma_wait3A_191] : memref<1000000x32xf32, #tpu.memory_space<hbm>> -> memref<1000000x32xf32, #tpu.memory_space<hbm>>
      tpu.wait_indirect_dma semaphore(%arg10 : memref<!tpu.dma_semaphore, #tpu.memory_space<semaphore_mem>>) src(%dma_wait3A_192 : memref<1000000x32xf32, #tpu.memory_space<hbm>>) dst(%dma_wait3A_187 : memref<128x32xf32, #tpu.memory_space<vmem>>)
      %dma_wait3A_193 = arith.constant 128 : i32
      %dma_wait3A_194 = arith.constant 0 : i32
      %dma_wait3A_195 = tpu.memref_slice %arg9[%dma_wait3A_193, %dma_wait3A_194] : memref<1664x32xf32, #tpu.memory_space<vmem>> -> memref<128x32xf32, #tpu.memory_space<vmem>>
      %dma_wait3A_196 = arith.constant 128 : i32
      %dma_wait3A_197 = tpu.memref_slice %arg8[%dma_wait3A_196] : memref<1664xi32, #tpu.memory_space<vmem>> -> memref<128xi32, #tpu.memory_space<vmem>>
      %dma_wait3A_198 = arith.constant 0 : i32
      %dma_wait3A_199 = arith.constant 0 : i32
      %dma_wait3A_200 = tpu.memref_slice %arg2[%dma_wait3A_198, %dma_wait3A_199] : memref<1000000x32xf32, #tpu.memory_space<hbm>> -> memref<1000000x32xf32, #tpu.memory_space<hbm>>
      tpu.wait_indirect_dma semaphore(%arg10 : memref<!tpu.dma_semaphore, #tpu.memory_space<semaphore_mem>>) src(%dma_wait3A_200 : memref<1000000x32xf32, #tpu.memory_space<hbm>>) dst(%dma_wait3A_195 : memref<128x32xf32, #tpu.memory_space<vmem>>)
      %dma_wait3A_201 = arith.constant 256 : i32
      %dma_wait3A_202 = arith.constant 0 : i32
      %dma_wait3A_203 = tpu.memref_slice %arg9[%dma_wait3A_201, %dma_wait3A_202] : memref<1664x32xf32, #tpu.memory_space<vmem>> -> memref<128x32xf32, #tpu.memory_space<vmem>>
      %dma_wait3A_204 = arith.constant 256 : i32
      %dma_wait3A_205 = tpu.memref_slice %arg8[%dma_wait3A_204] : memref<1664xi32, #tpu.memory_space<vmem>> -> memref<128xi32, #tpu.memory_space<vmem>>
      %dma_wait3A_206 = arith.constant 0 : i32
      %dma_wait3A_207 = arith.constant 0 : i32
      %dma_wait3A_208 = tpu.memref_slice %arg2[%dma_wait3A_206, %dma_wait3A_207] : memref<1000000x32xf32, #tpu.memory_space<hbm>> -> memref<1000000x32xf32, #tpu.memory_space<hbm>>
      tpu.wait_indirect_dma semaphore(%arg10 : memref<!tpu.dma_semaphore, #tpu.memory_space<semaphore_mem>>) src(%dma_wait3A_208 : memref<1000000x32xf32, #tpu.memory_space<hbm>>) dst(%dma_wait3A_203 : memref<128x32xf32, #tpu.memory_space<vmem>>)
      %dma_wait3A_209 = arith.constant 384 : i32
      %dma_wait3A_210 = arith.constant 0 : i32
      %dma_wait3A_211 = tpu.memref_slice %arg9[%dma_wait3A_209, %dma_wait3A_210] : memref<1664x32xf32, #tpu.memory_space<vmem>> -> memref<128x32xf32, #tpu.memory_space<vmem>>
      %dma_wait3A_212 = arith.constant 384 : i32
      %dma_wait3A_213 = tpu.memref_slice %arg8[%dma_wait3A_212] : memref<1664xi32, #tpu.memory_space<vmem>> -> memref<128xi32, #tpu.memory_space<vmem>>
      %dma_wait3A_214 = arith.constant 0 : i32
      %dma_wait3A_215 = arith.constant 0 : i32
      %dma_wait3A_216 = tpu.memref_slice %arg2[%dma_wait3A_214, %dma_wait3A_215] : memref<1000000x32xf32, #tpu.memory_space<hbm>> -> memref<1000000x32xf32, #tpu.memory_space<hbm>>
      tpu.wait_indirect_dma semaphore(%arg10 : memref<!tpu.dma_semaphore, #tpu.memory_space<semaphore_mem>>) src(%dma_wait3A_216 : memref<1000000x32xf32, #tpu.memory_space<hbm>>) dst(%dma_wait3A_211 : memref<128x32xf32, #tpu.memory_space<vmem>>)
      %dma_wait3A_217 = arith.constant 512 : i32
      %dma_wait3A_218 = arith.constant 0 : i32
      %dma_wait3A_219 = tpu.memref_slice %arg9[%dma_wait3A_217, %dma_wait3A_218] : memref<1664x32xf32, #tpu.memory_space<vmem>> -> memref<128x32xf32, #tpu.memory_space<vmem>>
      %dma_wait3A_220 = arith.constant 512 : i32
      %dma_wait3A_221 = tpu.memref_slice %arg8[%dma_wait3A_220] : memref<1664xi32, #tpu.memory_space<vmem>> -> memref<128xi32, #tpu.memory_space<vmem>>
      %dma_wait3A_222 = arith.constant 0 : i32
      %dma_wait3A_223 = arith.constant 0 : i32
      %dma_wait3A_224 = tpu.memref_slice %arg2[%dma_wait3A_222, %dma_wait3A_223] : memref<1000000x32xf32, #tpu.memory_space<hbm>> -> memref<1000000x32xf32, #tpu.memory_space<hbm>>
      tpu.wait_indirect_dma semaphore(%arg10 : memref<!tpu.dma_semaphore, #tpu.memory_space<semaphore_mem>>) src(%dma_wait3A_224 : memref<1000000x32xf32, #tpu.memory_space<hbm>>) dst(%dma_wait3A_219 : memref<128x32xf32, #tpu.memory_space<vmem>>)
      %dma_wait3A_225 = arith.constant 640 : i32
      %dma_wait3A_226 = arith.constant 0 : i32
      %dma_wait3A_227 = tpu.memref_slice %arg9[%dma_wait3A_225, %dma_wait3A_226] : memref<1664x32xf32, #tpu.memory_space<vmem>> -> memref<128x32xf32, #tpu.memory_space<vmem>>
      %dma_wait3A_228 = arith.constant 640 : i32
      %dma_wait3A_229 = tpu.memref_slice %arg8[%dma_wait3A_228] : memref<1664xi32, #tpu.memory_space<vmem>> -> memref<128xi32, #tpu.memory_space<vmem>>
      %dma_wait3A_230 = arith.constant 0 : i32
      %dma_wait3A_231 = arith.constant 0 : i32
      %dma_wait3A_232 = tpu.memref_slice %arg2[%dma_wait3A_230, %dma_wait3A_231] : memref<1000000x32xf32, #tpu.memory_space<hbm>> -> memref<1000000x32xf32, #tpu.memory_space<hbm>>
      tpu.wait_indirect_dma semaphore(%arg10 : memref<!tpu.dma_semaphore, #tpu.memory_space<semaphore_mem>>) src(%dma_wait3A_232 : memref<1000000x32xf32, #tpu.memory_space<hbm>>) dst(%dma_wait3A_227 : memref<128x32xf32, #tpu.memory_space<vmem>>)
      %dma_wait3A_233 = arith.constant 768 : i32
      %dma_wait3A_234 = arith.constant 0 : i32
      %dma_wait3A_235 = tpu.memref_slice %arg9[%dma_wait3A_233, %dma_wait3A_234] : memref<1664x32xf32, #tpu.memory_space<vmem>> -> memref<128x32xf32, #tpu.memory_space<vmem>>
      %dma_wait3A_236 = arith.constant 768 : i32
      %dma_wait3A_237 = tpu.memref_slice %arg8[%dma_wait3A_236] : memref<1664xi32, #tpu.memory_space<vmem>> -> memref<128xi32, #tpu.memory_space<vmem>>
      %dma_wait3A_238 = arith.constant 0 : i32
      %dma_wait3A_239 = arith.constant 0 : i32
      %dma_wait3A_240 = tpu.memref_slice %arg2[%dma_wait3A_238, %dma_wait3A_239] : memref<1000000x32xf32, #tpu.memory_space<hbm>> -> memref<1000000x32xf32, #tpu.memory_space<hbm>>
      tpu.wait_indirect_dma semaphore(%arg10 : memref<!tpu.dma_semaphore, #tpu.memory_space<semaphore_mem>>) src(%dma_wait3A_240 : memref<1000000x32xf32, #tpu.memory_space<hbm>>) dst(%dma_wait3A_235 : memref<128x32xf32, #tpu.memory_space<vmem>>)
      %dma_wait3A_241 = arith.constant 896 : i32
      %dma_wait3A_242 = arith.constant 0 : i32
      %dma_wait3A_243 = tpu.memref_slice %arg9[%dma_wait3A_241, %dma_wait3A_242] : memref<1664x32xf32, #tpu.memory_space<vmem>> -> memref<128x32xf32, #tpu.memory_space<vmem>>
      %dma_wait3A_244 = arith.constant 896 : i32
      %dma_wait3A_245 = tpu.memref_slice %arg8[%dma_wait3A_244] : memref<1664xi32, #tpu.memory_space<vmem>> -> memref<128xi32, #tpu.memory_space<vmem>>
      %dma_wait3A_246 = arith.constant 0 : i32
      %dma_wait3A_247 = arith.constant 0 : i32
      %dma_wait3A_248 = tpu.memref_slice %arg2[%dma_wait3A_246, %dma_wait3A_247] : memref<1000000x32xf32, #tpu.memory_space<hbm>> -> memref<1000000x32xf32, #tpu.memory_space<hbm>>
      tpu.wait_indirect_dma semaphore(%arg10 : memref<!tpu.dma_semaphore, #tpu.memory_space<semaphore_mem>>) src(%dma_wait3A_248 : memref<1000000x32xf32, #tpu.memory_space<hbm>>) dst(%dma_wait3A_243 : memref<128x32xf32, #tpu.memory_space<vmem>>)
      %dma_wait3A_249 = arith.constant 1024 : i32
      %dma_wait3A_250 = arith.constant 0 : i32
      %dma_wait3A_251 = tpu.memref_slice %arg9[%dma_wait3A_249, %dma_wait3A_250] : memref<1664x32xf32, #tpu.memory_space<vmem>> -> memref<128x32xf32, #tpu.memory_space<vmem>>
      %dma_wait3A_252 = arith.constant 1024 : i32
      %dma_wait3A_253 = tpu.memref_slice %arg8[%dma_wait3A_252] : memref<1664xi32, #tpu.memory_space<vmem>> -> memref<128xi32, #tpu.memory_space<vmem>>
      %dma_wait3A_254 = arith.constant 0 : i32
      %dma_wait3A_255 = arith.constant 0 : i32
      %dma_wait3A_256 = tpu.memref_slice %arg2[%dma_wait3A_254, %dma_wait3A_255] : memref<1000000x32xf32, #tpu.memory_space<hbm>> -> memref<1000000x32xf32, #tpu.memory_space<hbm>>
      tpu.wait_indirect_dma semaphore(%arg10 : memref<!tpu.dma_semaphore, #tpu.memory_space<semaphore_mem>>) src(%dma_wait3A_256 : memref<1000000x32xf32, #tpu.memory_space<hbm>>) dst(%dma_wait3A_251 : memref<128x32xf32, #tpu.memory_space<vmem>>)
      %dma_wait3A_257 = arith.constant 1152 : i32
      %dma_wait3A_258 = arith.constant 0 : i32
      %dma_wait3A_259 = tpu.memref_slice %arg9[%dma_wait3A_257, %dma_wait3A_258] : memref<1664x32xf32, #tpu.memory_space<vmem>> -> memref<128x32xf32, #tpu.memory_space<vmem>>
      %dma_wait3A_260 = arith.constant 1152 : i32
      %dma_wait3A_261 = tpu.memref_slice %arg8[%dma_wait3A_260] : memref<1664xi32, #tpu.memory_space<vmem>> -> memref<128xi32, #tpu.memory_space<vmem>>
      %dma_wait3A_262 = arith.constant 0 : i32
      %dma_wait3A_263 = arith.constant 0 : i32
      %dma_wait3A_264 = tpu.memref_slice %arg2[%dma_wait3A_262, %dma_wait3A_263] : memref<1000000x32xf32, #tpu.memory_space<hbm>> -> memref<1000000x32xf32, #tpu.memory_space<hbm>>
      tpu.wait_indirect_dma semaphore(%arg10 : memref<!tpu.dma_semaphore, #tpu.memory_space<semaphore_mem>>) src(%dma_wait3A_264 : memref<1000000x32xf32, #tpu.memory_space<hbm>>) dst(%dma_wait3A_259 : memref<128x32xf32, #tpu.memory_space<vmem>>)
      %dma_wait3A_265 = arith.constant 1280 : i32
      %dma_wait3A_266 = arith.constant 0 : i32
      %dma_wait3A_267 = tpu.memref_slice %arg9[%dma_wait3A_265, %dma_wait3A_266] : memref<1664x32xf32, #tpu.memory_space<vmem>> -> memref<128x32xf32, #tpu.memory_space<vmem>>
      %dma_wait3A_268 = arith.constant 1280 : i32
      %dma_wait3A_269 = tpu.memref_slice %arg8[%dma_wait3A_268] : memref<1664xi32, #tpu.memory_space<vmem>> -> memref<128xi32, #tpu.memory_space<vmem>>
      %dma_wait3A_270 = arith.constant 0 : i32
      %dma_wait3A_271 = arith.constant 0 : i32
      %dma_wait3A_272 = tpu.memref_slice %arg2[%dma_wait3A_270, %dma_wait3A_271] : memref<1000000x32xf32, #tpu.memory_space<hbm>> -> memref<1000000x32xf32, #tpu.memory_space<hbm>>
      tpu.wait_indirect_dma semaphore(%arg10 : memref<!tpu.dma_semaphore, #tpu.memory_space<semaphore_mem>>) src(%dma_wait3A_272 : memref<1000000x32xf32, #tpu.memory_space<hbm>>) dst(%dma_wait3A_267 : memref<128x32xf32, #tpu.memory_space<vmem>>)
      %dma_wait3A_273 = arith.constant 1408 : i32
      %dma_wait3A_274 = arith.constant 0 : i32
      %dma_wait3A_275 = tpu.memref_slice %arg9[%dma_wait3A_273, %dma_wait3A_274] : memref<1664x32xf32, #tpu.memory_space<vmem>> -> memref<128x32xf32, #tpu.memory_space<vmem>>
      %dma_wait3A_276 = arith.constant 1408 : i32
      %dma_wait3A_277 = tpu.memref_slice %arg8[%dma_wait3A_276] : memref<1664xi32, #tpu.memory_space<vmem>> -> memref<128xi32, #tpu.memory_space<vmem>>
      %dma_wait3A_278 = arith.constant 0 : i32
      %dma_wait3A_279 = arith.constant 0 : i32
      %dma_wait3A_280 = tpu.memref_slice %arg2[%dma_wait3A_278, %dma_wait3A_279] : memref<1000000x32xf32, #tpu.memory_space<hbm>> -> memref<1000000x32xf32, #tpu.memory_space<hbm>>
      tpu.wait_indirect_dma semaphore(%arg10 : memref<!tpu.dma_semaphore, #tpu.memory_space<semaphore_mem>>) src(%dma_wait3A_280 : memref<1000000x32xf32, #tpu.memory_space<hbm>>) dst(%dma_wait3A_275 : memref<128x32xf32, #tpu.memory_space<vmem>>)
      %dma_wait3A_281 = arith.constant 1536 : i32
      %dma_wait3A_282 = arith.constant 0 : i32
      %dma_wait3A_283 = tpu.memref_slice %arg9[%dma_wait3A_281, %dma_wait3A_282] : memref<1664x32xf32, #tpu.memory_space<vmem>> -> memref<128x32xf32, #tpu.memory_space<vmem>>
      %dma_wait3A_284 = arith.constant 1536 : i32
      %dma_wait3A_285 = tpu.memref_slice %arg8[%dma_wait3A_284] : memref<1664xi32, #tpu.memory_space<vmem>> -> memref<128xi32, #tpu.memory_space<vmem>>
      %dma_wait3A_286 = arith.constant 0 : i32
      %dma_wait3A_287 = arith.constant 0 : i32
      %dma_wait3A_288 = tpu.memref_slice %arg2[%dma_wait3A_286, %dma_wait3A_287] : memref<1000000x32xf32, #tpu.memory_space<hbm>> -> memref<1000000x32xf32, #tpu.memory_space<hbm>>
      tpu.wait_indirect_dma semaphore(%arg10 : memref<!tpu.dma_semaphore, #tpu.memory_space<semaphore_mem>>) src(%dma_wait3A_288 : memref<1000000x32xf32, #tpu.memory_space<hbm>>) dst(%dma_wait3A_283 : memref<128x32xf32, #tpu.memory_space<vmem>>)
      %mul3A_289 = arith.constant 4 : i32
      %mul3A_290 = arith.muli %add3A_78, %mul3A_289 : i32
      %dma_start3A_291 = arith.constant 0 : i32
      %dma_start3A_292 = arith.constant 0 : i32
      %dma_start3A_293 = arith.constant 0 : i32
      %dma_start3A_294 = tpu.memref_slice %arg9[%dma_start3A_292, %dma_start3A_293] : memref<1664x32xf32, #tpu.memory_space<vmem>> -> memref<128x32xf32, #tpu.memory_space<vmem>>
      %dma_start3A_295 = arith.constant 0 : i32
      %dma_start3A_296 = tpu.memref_slice %arg6[%dma_start3A_291, %mul3A_290, %dma_start3A_295] : memref<13x65536x32xf32, #tpu.memory_space<hbm>> -> memref<1x128x32xf32, #tpu.memory_space<hbm>>
      %dma_start3A_297 = tpu.memref_squeeze %dma_start3A_296 : memref<1x128x32xf32, #tpu.memory_space<hbm>> -> memref<128x32xf32, #tpu.memory_space<hbm>>
      %dma_start3A_298 = arith.constant 0 : i32
      %dma_start3A_299 = tpu.memref_slice %arg6[%dma_start3A_291, %mul3A_290, %dma_start3A_298] : memref<13x65536x32xf32, #tpu.memory_space<hbm>> -> memref<1x128x32xf32, #tpu.memory_space<hbm>>
      %dma_start3A_300 = tpu.memref_squeeze %dma_start3A_299 : memref<1x128x32xf32, #tpu.memory_space<hbm>> -> memref<128x32xf32, #tpu.memory_space<hbm>>
      %dma_start3A_301 = arith.constant 0 : i32
      %dma_start3A_302 = arith.constant 0 : i32
      %dma_start3A_303 = tpu.memref_slice %arg9[%dma_start3A_301, %dma_start3A_302] : memref<1664x32xf32, #tpu.memory_space<vmem>> -> memref<128x32xf32, #tpu.memory_space<vmem>>
      tpu.enqueue_dma source(%dma_start3A_303 : memref<128x32xf32, #tpu.memory_space<vmem>>) target(%dma_start3A_300 : memref<128x32xf32, #tpu.memory_space<hbm>>) target_semaphore(%arg11 : memref<!tpu.dma_semaphore, #tpu.memory_space<semaphore_mem>>)
      %mul3A_304 = arith.constant 4 : i32
      %mul3A_305 = arith.muli %add3A_78, %mul3A_304 : i32
      %dma_start3A_306 = arith.constant 1 : i32
      %dma_start3A_307 = arith.constant 128 : i32
      %dma_start3A_308 = arith.constant 0 : i32
      %dma_start3A_309 = tpu.memref_slice %arg9[%dma_start3A_307, %dma_start3A_308] : memref<1664x32xf32, #tpu.memory_space<vmem>> -> memref<128x32xf32, #tpu.memory_space<vmem>>
      %dma_start3A_310 = arith.constant 0 : i32
      %dma_start3A_311 = tpu.memref_slice %arg6[%dma_start3A_306, %mul3A_305, %dma_start3A_310] : memref<13x65536x32xf32, #tpu.memory_space<hbm>> -> memref<1x128x32xf32, #tpu.memory_space<hbm>>
      %dma_start3A_312 = tpu.memref_squeeze %dma_start3A_311 : memref<1x128x32xf32, #tpu.memory_space<hbm>> -> memref<128x32xf32, #tpu.memory_space<hbm>>
      %dma_start3A_313 = arith.constant 0 : i32
      %dma_start3A_314 = tpu.memref_slice %arg6[%dma_start3A_306, %mul3A_305, %dma_start3A_313] : memref<13x65536x32xf32, #tpu.memory_space<hbm>> -> memref<1x128x32xf32, #tpu.memory_space<hbm>>
      %dma_start3A_315 = tpu.memref_squeeze %dma_start3A_314 : memref<1x128x32xf32, #tpu.memory_space<hbm>> -> memref<128x32xf32, #tpu.memory_space<hbm>>
      %dma_start3A_316 = arith.constant 128 : i32
      %dma_start3A_317 = arith.constant 0 : i32
      %dma_start3A_318 = tpu.memref_slice %arg9[%dma_start3A_316, %dma_start3A_317] : memref<1664x32xf32, #tpu.memory_space<vmem>> -> memref<128x32xf32, #tpu.memory_space<vmem>>
      tpu.enqueue_dma source(%dma_start3A_318 : memref<128x32xf32, #tpu.memory_space<vmem>>) target(%dma_start3A_315 : memref<128x32xf32, #tpu.memory_space<hbm>>) target_semaphore(%arg11 : memref<!tpu.dma_semaphore, #tpu.memory_space<semaphore_mem>>)
      %mul3A_319 = arith.constant 4 : i32
      %mul3A_320 = arith.muli %add3A_78, %mul3A_319 : i32
      %dma_start3A_321 = arith.constant 2 : i32
      %dma_start3A_322 = arith.constant 256 : i32
      %dma_start3A_323 = arith.constant 0 : i32
      %dma_start3A_324 = tpu.memref_slice %arg9[%dma_start3A_322, %dma_start3A_323] : memref<1664x32xf32, #tpu.memory_space<vmem>> -> memref<128x32xf32, #tpu.memory_space<vmem>>
      %dma_start3A_325 = arith.constant 0 : i32
      %dma_start3A_326 = tpu.memref_slice %arg6[%dma_start3A_321, %mul3A_320, %dma_start3A_325] : memref<13x65536x32xf32, #tpu.memory_space<hbm>> -> memref<1x128x32xf32, #tpu.memory_space<hbm>>
      %dma_start3A_327 = tpu.memref_squeeze %dma_start3A_326 : memref<1x128x32xf32, #tpu.memory_space<hbm>> -> memref<128x32xf32, #tpu.memory_space<hbm>>
      %dma_start3A_328 = arith.constant 0 : i32
      %dma_start3A_329 = tpu.memref_slice %arg6[%dma_start3A_321, %mul3A_320, %dma_start3A_328] : memref<13x65536x32xf32, #tpu.memory_space<hbm>> -> memref<1x128x32xf32, #tpu.memory_space<hbm>>
      %dma_start3A_330 = tpu.memref_squeeze %dma_start3A_329 : memref<1x128x32xf32, #tpu.memory_space<hbm>> -> memref<128x32xf32, #tpu.memory_space<hbm>>
      %dma_start3A_331 = arith.constant 256 : i32
      %dma_start3A_332 = arith.constant 0 : i32
      %dma_start3A_333 = tpu.memref_slice %arg9[%dma_start3A_331, %dma_start3A_332] : memref<1664x32xf32, #tpu.memory_space<vmem>> -> memref<128x32xf32, #tpu.memory_space<vmem>>
      tpu.enqueue_dma source(%dma_start3A_333 : memref<128x32xf32, #tpu.memory_space<vmem>>) target(%dma_start3A_330 : memref<128x32xf32, #tpu.memory_space<hbm>>) target_semaphore(%arg11 : memref<!tpu.dma_semaphore, #tpu.memory_space<semaphore_mem>>)
      %mul3A_334 = arith.constant 4 : i32
      %mul3A_335 = arith.muli %add3A_78, %mul3A_334 : i32
      %dma_start3A_336 = arith.constant 3 : i32
      %dma_start3A_337 = arith.constant 384 : i32
      %dma_start3A_338 = arith.constant 0 : i32
      %dma_start3A_339 = tpu.memref_slice %arg9[%dma_start3A_337, %dma_start3A_338] : memref<1664x32xf32, #tpu.memory_space<vmem>> -> memref<128x32xf32, #tpu.memory_space<vmem>>
      %dma_start3A_340 = arith.constant 0 : i32
      %dma_start3A_341 = tpu.memref_slice %arg6[%dma_start3A_336, %mul3A_335, %dma_start3A_340] : memref<13x65536x32xf32, #tpu.memory_space<hbm>> -> memref<1x128x32xf32, #tpu.memory_space<hbm>>
      %dma_start3A_342 = tpu.memref_squeeze %dma_start3A_341 : memref<1x128x32xf32, #tpu.memory_space<hbm>> -> memref<128x32xf32, #tpu.memory_space<hbm>>
      %dma_start3A_343 = arith.constant 0 : i32
      %dma_start3A_344 = tpu.memref_slice %arg6[%dma_start3A_336, %mul3A_335, %dma_start3A_343] : memref<13x65536x32xf32, #tpu.memory_space<hbm>> -> memref<1x128x32xf32, #tpu.memory_space<hbm>>
      %dma_start3A_345 = tpu.memref_squeeze %dma_start3A_344 : memref<1x128x32xf32, #tpu.memory_space<hbm>> -> memref<128x32xf32, #tpu.memory_space<hbm>>
      %dma_start3A_346 = arith.constant 384 : i32
      %dma_start3A_347 = arith.constant 0 : i32
      %dma_start3A_348 = tpu.memref_slice %arg9[%dma_start3A_346, %dma_start3A_347] : memref<1664x32xf32, #tpu.memory_space<vmem>> -> memref<128x32xf32, #tpu.memory_space<vmem>>
      tpu.enqueue_dma source(%dma_start3A_348 : memref<128x32xf32, #tpu.memory_space<vmem>>) target(%dma_start3A_345 : memref<128x32xf32, #tpu.memory_space<hbm>>) target_semaphore(%arg11 : memref<!tpu.dma_semaphore, #tpu.memory_space<semaphore_mem>>)
      %mul3A_349 = arith.constant 4 : i32
      %mul3A_350 = arith.muli %add3A_78, %mul3A_349 : i32
      %dma_start3A_351 = arith.constant 4 : i32
      %dma_start3A_352 = arith.constant 512 : i32
      %dma_start3A_353 = arith.constant 0 : i32
      %dma_start3A_354 = tpu.memref_slice %arg9[%dma_start3A_352, %dma_start3A_353] : memref<1664x32xf32, #tpu.memory_space<vmem>> -> memref<128x32xf32, #tpu.memory_space<vmem>>
      %dma_start3A_355 = arith.constant 0 : i32
      %dma_start3A_356 = tpu.memref_slice %arg6[%dma_start3A_351, %mul3A_350, %dma_start3A_355] : memref<13x65536x32xf32, #tpu.memory_space<hbm>> -> memref<1x128x32xf32, #tpu.memory_space<hbm>>
      %dma_start3A_357 = tpu.memref_squeeze %dma_start3A_356 : memref<1x128x32xf32, #tpu.memory_space<hbm>> -> memref<128x32xf32, #tpu.memory_space<hbm>>
      %dma_start3A_358 = arith.constant 0 : i32
      %dma_start3A_359 = tpu.memref_slice %arg6[%dma_start3A_351, %mul3A_350, %dma_start3A_358] : memref<13x65536x32xf32, #tpu.memory_space<hbm>> -> memref<1x128x32xf32, #tpu.memory_space<hbm>>
      %dma_start3A_360 = tpu.memref_squeeze %dma_start3A_359 : memref<1x128x32xf32, #tpu.memory_space<hbm>> -> memref<128x32xf32, #tpu.memory_space<hbm>>
      %dma_start3A_361 = arith.constant 512 : i32
      %dma_start3A_362 = arith.constant 0 : i32
      %dma_start3A_363 = tpu.memref_slice %arg9[%dma_start3A_361, %dma_start3A_362] : memref<1664x32xf32, #tpu.memory_space<vmem>> -> memref<128x32xf32, #tpu.memory_space<vmem>>
      tpu.enqueue_dma source(%dma_start3A_363 : memref<128x32xf32, #tpu.memory_space<vmem>>) target(%dma_start3A_360 : memref<128x32xf32, #tpu.memory_space<hbm>>) target_semaphore(%arg11 : memref<!tpu.dma_semaphore, #tpu.memory_space<semaphore_mem>>)
      %mul3A_364 = arith.constant 4 : i32
      %mul3A_365 = arith.muli %add3A_78, %mul3A_364 : i32
      %dma_start3A_366 = arith.constant 5 : i32
      %dma_start3A_367 = arith.constant 640 : i32
      %dma_start3A_368 = arith.constant 0 : i32
      %dma_start3A_369 = tpu.memref_slice %arg9[%dma_start3A_367, %dma_start3A_368] : memref<1664x32xf32, #tpu.memory_space<vmem>> -> memref<128x32xf32, #tpu.memory_space<vmem>>
      %dma_start3A_370 = arith.constant 0 : i32
      %dma_start3A_371 = tpu.memref_slice %arg6[%dma_start3A_366, %mul3A_365, %dma_start3A_370] : memref<13x65536x32xf32, #tpu.memory_space<hbm>> -> memref<1x128x32xf32, #tpu.memory_space<hbm>>
      %dma_start3A_372 = tpu.memref_squeeze %dma_start3A_371 : memref<1x128x32xf32, #tpu.memory_space<hbm>> -> memref<128x32xf32, #tpu.memory_space<hbm>>
      %dma_start3A_373 = arith.constant 0 : i32
      %dma_start3A_374 = tpu.memref_slice %arg6[%dma_start3A_366, %mul3A_365, %dma_start3A_373] : memref<13x65536x32xf32, #tpu.memory_space<hbm>> -> memref<1x128x32xf32, #tpu.memory_space<hbm>>
      %dma_start3A_375 = tpu.memref_squeeze %dma_start3A_374 : memref<1x128x32xf32, #tpu.memory_space<hbm>> -> memref<128x32xf32, #tpu.memory_space<hbm>>
      %dma_start3A_376 = arith.constant 640 : i32
      %dma_start3A_377 = arith.constant 0 : i32
      %dma_start3A_378 = tpu.memref_slice %arg9[%dma_start3A_376, %dma_start3A_377] : memref<1664x32xf32, #tpu.memory_space<vmem>> -> memref<128x32xf32, #tpu.memory_space<vmem>>
      tpu.enqueue_dma source(%dma_start3A_378 : memref<128x32xf32, #tpu.memory_space<vmem>>) target(%dma_start3A_375 : memref<128x32xf32, #tpu.memory_space<hbm>>) target_semaphore(%arg11 : memref<!tpu.dma_semaphore, #tpu.memory_space<semaphore_mem>>)
      %mul3A_379 = arith.constant 4 : i32
      %mul3A_380 = arith.muli %add3A_78, %mul3A_379 : i32
      %dma_start3A_381 = arith.constant 6 : i32
      %dma_start3A_382 = arith.constant 768 : i32
      %dma_start3A_383 = arith.constant 0 : i32
      %dma_start3A_384 = tpu.memref_slice %arg9[%dma_start3A_382, %dma_start3A_383] : memref<1664x32xf32, #tpu.memory_space<vmem>> -> memref<128x32xf32, #tpu.memory_space<vmem>>
      %dma_start3A_385 = arith.constant 0 : i32
      %dma_start3A_386 = tpu.memref_slice %arg6[%dma_start3A_381, %mul3A_380, %dma_start3A_385] : memref<13x65536x32xf32, #tpu.memory_space<hbm>> -> memref<1x128x32xf32, #tpu.memory_space<hbm>>
      %dma_start3A_387 = tpu.memref_squeeze %dma_start3A_386 : memref<1x128x32xf32, #tpu.memory_space<hbm>> -> memref<128x32xf32, #tpu.memory_space<hbm>>
      %dma_start3A_388 = arith.constant 0 : i32
      %dma_start3A_389 = tpu.memref_slice %arg6[%dma_start3A_381, %mul3A_380, %dma_start3A_388] : memref<13x65536x32xf32, #tpu.memory_space<hbm>> -> memref<1x128x32xf32, #tpu.memory_space<hbm>>
      %dma_start3A_390 = tpu.memref_squeeze %dma_start3A_389 : memref<1x128x32xf32, #tpu.memory_space<hbm>> -> memref<128x32xf32, #tpu.memory_space<hbm>>
      %dma_start3A_391 = arith.constant 768 : i32
      %dma_start3A_392 = arith.constant 0 : i32
      %dma_start3A_393 = tpu.memref_slice %arg9[%dma_start3A_391, %dma_start3A_392] : memref<1664x32xf32, #tpu.memory_space<vmem>> -> memref<128x32xf32, #tpu.memory_space<vmem>>
      tpu.enqueue_dma source(%dma_start3A_393 : memref<128x32xf32, #tpu.memory_space<vmem>>) target(%dma_start3A_390 : memref<128x32xf32, #tpu.memory_space<hbm>>) target_semaphore(%arg11 : memref<!tpu.dma_semaphore, #tpu.memory_space<semaphore_mem>>)
      %mul3A_394 = arith.constant 4 : i32
      %mul3A_395 = arith.muli %add3A_78, %mul3A_394 : i32
      %dma_start3A_396 = arith.constant 7 : i32
      %dma_start3A_397 = arith.constant 896 : i32
      %dma_start3A_398 = arith.constant 0 : i32
      %dma_start3A_399 = tpu.memref_slice %arg9[%dma_start3A_397, %dma_start3A_398] : memref<1664x32xf32, #tpu.memory_space<vmem>> -> memref<128x32xf32, #tpu.memory_space<vmem>>
      %dma_start3A_400 = arith.constant 0 : i32
      %dma_start3A_401 = tpu.memref_slice %arg6[%dma_start3A_396, %mul3A_395, %dma_start3A_400] : memref<13x65536x32xf32, #tpu.memory_space<hbm>> -> memref<1x128x32xf32, #tpu.memory_space<hbm>>
      %dma_start3A_402 = tpu.memref_squeeze %dma_start3A_401 : memref<1x128x32xf32, #tpu.memory_space<hbm>> -> memref<128x32xf32, #tpu.memory_space<hbm>>
      %dma_start3A_403 = arith.constant 0 : i32
      %dma_start3A_404 = tpu.memref_slice %arg6[%dma_start3A_396, %mul3A_395, %dma_start3A_403] : memref<13x65536x32xf32, #tpu.memory_space<hbm>> -> memref<1x128x32xf32, #tpu.memory_space<hbm>>
      %dma_start3A_405 = tpu.memref_squeeze %dma_start3A_404 : memref<1x128x32xf32, #tpu.memory_space<hbm>> -> memref<128x32xf32, #tpu.memory_space<hbm>>
      %dma_start3A_406 = arith.constant 896 : i32
      %dma_start3A_407 = arith.constant 0 : i32
      %dma_start3A_408 = tpu.memref_slice %arg9[%dma_start3A_406, %dma_start3A_407] : memref<1664x32xf32, #tpu.memory_space<vmem>> -> memref<128x32xf32, #tpu.memory_space<vmem>>
      tpu.enqueue_dma source(%dma_start3A_408 : memref<128x32xf32, #tpu.memory_space<vmem>>) target(%dma_start3A_405 : memref<128x32xf32, #tpu.memory_space<hbm>>) target_semaphore(%arg11 : memref<!tpu.dma_semaphore, #tpu.memory_space<semaphore_mem>>)
      %mul3A_409 = arith.constant 4 : i32
      %mul3A_410 = arith.muli %add3A_78, %mul3A_409 : i32
      %dma_start3A_411 = arith.constant 8 : i32
      %dma_start3A_412 = arith.constant 1024 : i32
      %dma_start3A_413 = arith.constant 0 : i32
      %dma_start3A_414 = tpu.memref_slice %arg9[%dma_start3A_412, %dma_start3A_413] : memref<1664x32xf32, #tpu.memory_space<vmem>> -> memref<128x32xf32, #tpu.memory_space<vmem>>
      %dma_start3A_415 = arith.constant 0 : i32
      %dma_start3A_416 = tpu.memref_slice %arg6[%dma_start3A_411, %mul3A_410, %dma_start3A_415] : memref<13x65536x32xf32, #tpu.memory_space<hbm>> -> memref<1x128x32xf32, #tpu.memory_space<hbm>>
      %dma_start3A_417 = tpu.memref_squeeze %dma_start3A_416 : memref<1x128x32xf32, #tpu.memory_space<hbm>> -> memref<128x32xf32, #tpu.memory_space<hbm>>
      %dma_start3A_418 = arith.constant 0 : i32
      %dma_start3A_419 = tpu.memref_slice %arg6[%dma_start3A_411, %mul3A_410, %dma_start3A_418] : memref<13x65536x32xf32, #tpu.memory_space<hbm>> -> memref<1x128x32xf32, #tpu.memory_space<hbm>>
      %dma_start3A_420 = tpu.memref_squeeze %dma_start3A_419 : memref<1x128x32xf32, #tpu.memory_space<hbm>> -> memref<128x32xf32, #tpu.memory_space<hbm>>
      %dma_start3A_421 = arith.constant 1024 : i32
      %dma_start3A_422 = arith.constant 0 : i32
      %dma_start3A_423 = tpu.memref_slice %arg9[%dma_start3A_421, %dma_start3A_422] : memref<1664x32xf32, #tpu.memory_space<vmem>> -> memref<128x32xf32, #tpu.memory_space<vmem>>
      tpu.enqueue_dma source(%dma_start3A_423 : memref<128x32xf32, #tpu.memory_space<vmem>>) target(%dma_start3A_420 : memref<128x32xf32, #tpu.memory_space<hbm>>) target_semaphore(%arg11 : memref<!tpu.dma_semaphore, #tpu.memory_space<semaphore_mem>>)
      %mul3A_424 = arith.constant 4 : i32
      %mul3A_425 = arith.muli %add3A_78, %mul3A_424 : i32
      %dma_start3A_426 = arith.constant 9 : i32
      %dma_start3A_427 = arith.constant 1152 : i32
      %dma_start3A_428 = arith.constant 0 : i32
      %dma_start3A_429 = tpu.memref_slice %arg9[%dma_start3A_427, %dma_start3A_428] : memref<1664x32xf32, #tpu.memory_space<vmem>> -> memref<128x32xf32, #tpu.memory_space<vmem>>
      %dma_start3A_430 = arith.constant 0 : i32
      %dma_start3A_431 = tpu.memref_slice %arg6[%dma_start3A_426, %mul3A_425, %dma_start3A_430] : memref<13x65536x32xf32, #tpu.memory_space<hbm>> -> memref<1x128x32xf32, #tpu.memory_space<hbm>>
      %dma_start3A_432 = tpu.memref_squeeze %dma_start3A_431 : memref<1x128x32xf32, #tpu.memory_space<hbm>> -> memref<128x32xf32, #tpu.memory_space<hbm>>
      %dma_start3A_433 = arith.constant 0 : i32
      %dma_start3A_434 = tpu.memref_slice %arg6[%dma_start3A_426, %mul3A_425, %dma_start3A_433] : memref<13x65536x32xf32, #tpu.memory_space<hbm>> -> memref<1x128x32xf32, #tpu.memory_space<hbm>>
      %dma_start3A_435 = tpu.memref_squeeze %dma_start3A_434 : memref<1x128x32xf32, #tpu.memory_space<hbm>> -> memref<128x32xf32, #tpu.memory_space<hbm>>
      %dma_start3A_436 = arith.constant 1152 : i32
      %dma_start3A_437 = arith.constant 0 : i32
      %dma_start3A_438 = tpu.memref_slice %arg9[%dma_start3A_436, %dma_start3A_437] : memref<1664x32xf32, #tpu.memory_space<vmem>> -> memref<128x32xf32, #tpu.memory_space<vmem>>
      tpu.enqueue_dma source(%dma_start3A_438 : memref<128x32xf32, #tpu.memory_space<vmem>>) target(%dma_start3A_435 : memref<128x32xf32, #tpu.memory_space<hbm>>) target_semaphore(%arg11 : memref<!tpu.dma_semaphore, #tpu.memory_space<semaphore_mem>>)
      %mul3A_439 = arith.constant 4 : i32
      %mul3A_440 = arith.muli %add3A_78, %mul3A_439 : i32
      %dma_start3A_441 = arith.constant 10 : i32
      %dma_start3A_442 = arith.constant 1280 : i32
      %dma_start3A_443 = arith.constant 0 : i32
      %dma_start3A_444 = tpu.memref_slice %arg9[%dma_start3A_442, %dma_start3A_443] : memref<1664x32xf32, #tpu.memory_space<vmem>> -> memref<128x32xf32, #tpu.memory_space<vmem>>
      %dma_start3A_445 = arith.constant 0 : i32
      %dma_start3A_446 = tpu.memref_slice %arg6[%dma_start3A_441, %mul3A_440, %dma_start3A_445] : memref<13x65536x32xf32, #tpu.memory_space<hbm>> -> memref<1x128x32xf32, #tpu.memory_space<hbm>>
      %dma_start3A_447 = tpu.memref_squeeze %dma_start3A_446 : memref<1x128x32xf32, #tpu.memory_space<hbm>> -> memref<128x32xf32, #tpu.memory_space<hbm>>
      %dma_start3A_448 = arith.constant 0 : i32
      %dma_start3A_449 = tpu.memref_slice %arg6[%dma_start3A_441, %mul3A_440, %dma_start3A_448] : memref<13x65536x32xf32, #tpu.memory_space<hbm>> -> memref<1x128x32xf32, #tpu.memory_space<hbm>>
      %dma_start3A_450 = tpu.memref_squeeze %dma_start3A_449 : memref<1x128x32xf32, #tpu.memory_space<hbm>> -> memref<128x32xf32, #tpu.memory_space<hbm>>
      %dma_start3A_451 = arith.constant 1280 : i32
      %dma_start3A_452 = arith.constant 0 : i32
      %dma_start3A_453 = tpu.memref_slice %arg9[%dma_start3A_451, %dma_start3A_452] : memref<1664x32xf32, #tpu.memory_space<vmem>> -> memref<128x32xf32, #tpu.memory_space<vmem>>
      tpu.enqueue_dma source(%dma_start3A_453 : memref<128x32xf32, #tpu.memory_space<vmem>>) target(%dma_start3A_450 : memref<128x32xf32, #tpu.memory_space<hbm>>) target_semaphore(%arg11 : memref<!tpu.dma_semaphore, #tpu.memory_space<semaphore_mem>>)
      %mul3A_454 = arith.constant 4 : i32
      %mul3A_455 = arith.muli %add3A_78, %mul3A_454 : i32
      %dma_start3A_456 = arith.constant 11 : i32
      %dma_start3A_457 = arith.constant 1408 : i32
      %dma_start3A_458 = arith.constant 0 : i32
      %dma_start3A_459 = tpu.memref_slice %arg9[%dma_start3A_457, %dma_start3A_458] : memref<1664x32xf32, #tpu.memory_space<vmem>> -> memref<128x32xf32, #tpu.memory_space<vmem>>
      %dma_start3A_460 = arith.constant 0 : i32
      %dma_start3A_461 = tpu.memref_slice %arg6[%dma_start3A_456, %mul3A_455, %dma_start3A_460] : memref<13x65536x32xf32, #tpu.memory_space<hbm>> -> memref<1x128x32xf32, #tpu.memory_space<hbm>>
      %dma_start3A_462 = tpu.memref_squeeze %dma_start3A_461 : memref<1x128x32xf32, #tpu.memory_space<hbm>> -> memref<128x32xf32, #tpu.memory_space<hbm>>
      %dma_start3A_463 = arith.constant 0 : i32
      %dma_start3A_464 = tpu.memref_slice %arg6[%dma_start3A_456, %mul3A_455, %dma_start3A_463] : memref<13x65536x32xf32, #tpu.memory_space<hbm>> -> memref<1x128x32xf32, #tpu.memory_space<hbm>>
      %dma_start3A_465 = tpu.memref_squeeze %dma_start3A_464 : memref<1x128x32xf32, #tpu.memory_space<hbm>> -> memref<128x32xf32, #tpu.memory_space<hbm>>
      %dma_start3A_466 = arith.constant 1408 : i32
      %dma_start3A_467 = arith.constant 0 : i32
      %dma_start3A_468 = tpu.memref_slice %arg9[%dma_start3A_466, %dma_start3A_467] : memref<1664x32xf32, #tpu.memory_space<vmem>> -> memref<128x32xf32, #tpu.memory_space<vmem>>
      tpu.enqueue_dma source(%dma_start3A_468 : memref<128x32xf32, #tpu.memory_space<vmem>>) target(%dma_start3A_465 : memref<128x32xf32, #tpu.memory_space<hbm>>) target_semaphore(%arg11 : memref<!tpu.dma_semaphore, #tpu.memory_space<semaphore_mem>>)
      %mul3A_469 = arith.constant 4 : i32
      %mul3A_470 = arith.muli %add3A_78, %mul3A_469 : i32
      %dma_start3A_471 = arith.constant 12 : i32
      %dma_start3A_472 = arith.constant 1536 : i32
      %dma_start3A_473 = arith.constant 0 : i32
      %dma_start3A_474 = tpu.memref_slice %arg9[%dma_start3A_472, %dma_start3A_473] : memref<1664x32xf32, #tpu.memory_space<vmem>> -> memref<128x32xf32, #tpu.memory_space<vmem>>
      %dma_start3A_475 = arith.constant 0 : i32
      %dma_start3A_476 = tpu.memref_slice %arg6[%dma_start3A_471, %mul3A_470, %dma_start3A_475] : memref<13x65536x32xf32, #tpu.memory_space<hbm>> -> memref<1x128x32xf32, #tpu.memory_space<hbm>>
      %dma_start3A_477 = tpu.memref_squeeze %dma_start3A_476 : memref<1x128x32xf32, #tpu.memory_space<hbm>> -> memref<128x32xf32, #tpu.memory_space<hbm>>
      %dma_start3A_478 = arith.constant 0 : i32
      %dma_start3A_479 = tpu.memref_slice %arg6[%dma_start3A_471, %mul3A_470, %dma_start3A_478] : memref<13x65536x32xf32, #tpu.memory_space<hbm>> -> memref<1x128x32xf32, #tpu.memory_space<hbm>>
      %dma_start3A_480 = tpu.memref_squeeze %dma_start3A_479 : memref<1x128x32xf32, #tpu.memory_space<hbm>> -> memref<128x32xf32, #tpu.memory_space<hbm>>
      %dma_start3A_481 = arith.constant 1536 : i32
      %dma_start3A_482 = arith.constant 0 : i32
      %dma_start3A_483 = tpu.memref_slice %arg9[%dma_start3A_481, %dma_start3A_482] : memref<1664x32xf32, #tpu.memory_space<vmem>> -> memref<128x32xf32, #tpu.memory_space<vmem>>
      tpu.enqueue_dma source(%dma_start3A_483 : memref<128x32xf32, #tpu.memory_space<vmem>>) target(%dma_start3A_480 : memref<128x32xf32, #tpu.memory_space<hbm>>) target_semaphore(%arg11 : memref<!tpu.dma_semaphore, #tpu.memory_space<semaphore_mem>>)
      %dma_wait3A_484 = arith.constant 0 : i32
      %dma_wait3A_485 = arith.constant 0 : i32
      %dma_wait3A_486 = arith.constant 0 : i32
      %dma_wait3A_487 = tpu.memref_slice %arg9[%dma_wait3A_485, %dma_wait3A_486] : memref<1664x32xf32, #tpu.memory_space<vmem>> -> memref<128x32xf32, #tpu.memory_space<vmem>>
      %dma_wait3A_488 = arith.constant 0 : i32
      %dma_wait3A_489 = tpu.memref_slice %arg6[%dma_wait3A_484, %mul3A_290, %dma_wait3A_488] : memref<13x65536x32xf32, #tpu.memory_space<hbm>> -> memref<1x128x32xf32, #tpu.memory_space<hbm>>
      %dma_wait3A_490 = tpu.memref_squeeze %dma_wait3A_489 : memref<1x128x32xf32, #tpu.memory_space<hbm>> -> memref<128x32xf32, #tpu.memory_space<hbm>>
      %dma_wait3A_491 = arith.constant 0 : i32
      %dma_wait3A_492 = tpu.memref_slice %arg6[%dma_wait3A_484, %mul3A_290, %dma_wait3A_491] : memref<13x65536x32xf32, #tpu.memory_space<hbm>> -> memref<1x128x32xf32, #tpu.memory_space<hbm>>
      %dma_wait3A_493 = tpu.memref_squeeze %dma_wait3A_492 : memref<1x128x32xf32, #tpu.memory_space<hbm>> -> memref<128x32xf32, #tpu.memory_space<hbm>>
      %dma_wait3A_494 = arith.constant 0 : i32
      %dma_wait3A_495 = arith.constant 0 : i32
      %dma_wait3A_496 = tpu.memref_slice %arg9[%dma_wait3A_494, %dma_wait3A_495] : memref<1664x32xf32, #tpu.memory_space<vmem>> -> memref<128x32xf32, #tpu.memory_space<vmem>>
      tpu.wait_dma2 semaphore(%arg11 : memref<!tpu.dma_semaphore, #tpu.memory_space<semaphore_mem>>) src(%dma_wait3A_496 : memref<128x32xf32, #tpu.memory_space<vmem>>) dst(%dma_wait3A_493 : memref<128x32xf32, #tpu.memory_space<hbm>>)
      %dma_wait3A_497 = arith.constant 1 : i32
      %dma_wait3A_498 = arith.constant 128 : i32
      %dma_wait3A_499 = arith.constant 0 : i32
      %dma_wait3A_500 = tpu.memref_slice %arg9[%dma_wait3A_498, %dma_wait3A_499] : memref<1664x32xf32, #tpu.memory_space<vmem>> -> memref<128x32xf32, #tpu.memory_space<vmem>>
      %dma_wait3A_501 = arith.constant 0 : i32
      %dma_wait3A_502 = tpu.memref_slice %arg6[%dma_wait3A_497, %mul3A_305, %dma_wait3A_501] : memref<13x65536x32xf32, #tpu.memory_space<hbm>> -> memref<1x128x32xf32, #tpu.memory_space<hbm>>
      %dma_wait3A_503 = tpu.memref_squeeze %dma_wait3A_502 : memref<1x128x32xf32, #tpu.memory_space<hbm>> -> memref<128x32xf32, #tpu.memory_space<hbm>>
      %dma_wait3A_504 = arith.constant 0 : i32
      %dma_wait3A_505 = tpu.memref_slice %arg6[%dma_wait3A_497, %mul3A_305, %dma_wait3A_504] : memref<13x65536x32xf32, #tpu.memory_space<hbm>> -> memref<1x128x32xf32, #tpu.memory_space<hbm>>
      %dma_wait3A_506 = tpu.memref_squeeze %dma_wait3A_505 : memref<1x128x32xf32, #tpu.memory_space<hbm>> -> memref<128x32xf32, #tpu.memory_space<hbm>>
      %dma_wait3A_507 = arith.constant 128 : i32
      %dma_wait3A_508 = arith.constant 0 : i32
      %dma_wait3A_509 = tpu.memref_slice %arg9[%dma_wait3A_507, %dma_wait3A_508] : memref<1664x32xf32, #tpu.memory_space<vmem>> -> memref<128x32xf32, #tpu.memory_space<vmem>>
      tpu.wait_dma2 semaphore(%arg11 : memref<!tpu.dma_semaphore, #tpu.memory_space<semaphore_mem>>) src(%dma_wait3A_509 : memref<128x32xf32, #tpu.memory_space<vmem>>) dst(%dma_wait3A_506 : memref<128x32xf32, #tpu.memory_space<hbm>>)
      %dma_wait3A_510 = arith.constant 2 : i32
      %dma_wait3A_511 = arith.constant 256 : i32
      %dma_wait3A_512 = arith.constant 0 : i32
      %dma_wait3A_513 = tpu.memref_slice %arg9[%dma_wait3A_511, %dma_wait3A_512] : memref<1664x32xf32, #tpu.memory_space<vmem>> -> memref<128x32xf32, #tpu.memory_space<vmem>>
      %dma_wait3A_514 = arith.constant 0 : i32
      %dma_wait3A_515 = tpu.memref_slice %arg6[%dma_wait3A_510, %mul3A_320, %dma_wait3A_514] : memref<13x65536x32xf32, #tpu.memory_space<hbm>> -> memref<1x128x32xf32, #tpu.memory_space<hbm>>
      %dma_wait3A_516 = tpu.memref_squeeze %dma_wait3A_515 : memref<1x128x32xf32, #tpu.memory_space<hbm>> -> memref<128x32xf32, #tpu.memory_space<hbm>>
      %dma_wait3A_517 = arith.constant 0 : i32
      %dma_wait3A_518 = tpu.memref_slice %arg6[%dma_wait3A_510, %mul3A_320, %dma_wait3A_517] : memref<13x65536x32xf32, #tpu.memory_space<hbm>> -> memref<1x128x32xf32, #tpu.memory_space<hbm>>
      %dma_wait3A_519 = tpu.memref_squeeze %dma_wait3A_518 : memref<1x128x32xf32, #tpu.memory_space<hbm>> -> memref<128x32xf32, #tpu.memory_space<hbm>>
      %dma_wait3A_520 = arith.constant 256 : i32
      %dma_wait3A_521 = arith.constant 0 : i32
      %dma_wait3A_522 = tpu.memref_slice %arg9[%dma_wait3A_520, %dma_wait3A_521] : memref<1664x32xf32, #tpu.memory_space<vmem>> -> memref<128x32xf32, #tpu.memory_space<vmem>>
      tpu.wait_dma2 semaphore(%arg11 : memref<!tpu.dma_semaphore, #tpu.memory_space<semaphore_mem>>) src(%dma_wait3A_522 : memref<128x32xf32, #tpu.memory_space<vmem>>) dst(%dma_wait3A_519 : memref<128x32xf32, #tpu.memory_space<hbm>>)
      %dma_wait3A_523 = arith.constant 3 : i32
      %dma_wait3A_524 = arith.constant 384 : i32
      %dma_wait3A_525 = arith.constant 0 : i32
      %dma_wait3A_526 = tpu.memref_slice %arg9[%dma_wait3A_524, %dma_wait3A_525] : memref<1664x32xf32, #tpu.memory_space<vmem>> -> memref<128x32xf32, #tpu.memory_space<vmem>>
      %dma_wait3A_527 = arith.constant 0 : i32
      %dma_wait3A_528 = tpu.memref_slice %arg6[%dma_wait3A_523, %mul3A_335, %dma_wait3A_527] : memref<13x65536x32xf32, #tpu.memory_space<hbm>> -> memref<1x128x32xf32, #tpu.memory_space<hbm>>
      %dma_wait3A_529 = tpu.memref_squeeze %dma_wait3A_528 : memref<1x128x32xf32, #tpu.memory_space<hbm>> -> memref<128x32xf32, #tpu.memory_space<hbm>>
      %dma_wait3A_530 = arith.constant 0 : i32
      %dma_wait3A_531 = tpu.memref_slice %arg6[%dma_wait3A_523, %mul3A_335, %dma_wait3A_530] : memref<13x65536x32xf32, #tpu.memory_space<hbm>> -> memref<1x128x32xf32, #tpu.memory_space<hbm>>
      %dma_wait3A_532 = tpu.memref_squeeze %dma_wait3A_531 : memref<1x128x32xf32, #tpu.memory_space<hbm>> -> memref<128x32xf32, #tpu.memory_space<hbm>>
      %dma_wait3A_533 = arith.constant 384 : i32
      %dma_wait3A_534 = arith.constant 0 : i32
      %dma_wait3A_535 = tpu.memref_slice %arg9[%dma_wait3A_533, %dma_wait3A_534] : memref<1664x32xf32, #tpu.memory_space<vmem>> -> memref<128x32xf32, #tpu.memory_space<vmem>>
      tpu.wait_dma2 semaphore(%arg11 : memref<!tpu.dma_semaphore, #tpu.memory_space<semaphore_mem>>) src(%dma_wait3A_535 : memref<128x32xf32, #tpu.memory_space<vmem>>) dst(%dma_wait3A_532 : memref<128x32xf32, #tpu.memory_space<hbm>>)
      %dma_wait3A_536 = arith.constant 4 : i32
      %dma_wait3A_537 = arith.constant 512 : i32
      %dma_wait3A_538 = arith.constant 0 : i32
      %dma_wait3A_539 = tpu.memref_slice %arg9[%dma_wait3A_537, %dma_wait3A_538] : memref<1664x32xf32, #tpu.memory_space<vmem>> -> memref<128x32xf32, #tpu.memory_space<vmem>>
      %dma_wait3A_540 = arith.constant 0 : i32
      %dma_wait3A_541 = tpu.memref_slice %arg6[%dma_wait3A_536, %mul3A_350, %dma_wait3A_540] : memref<13x65536x32xf32, #tpu.memory_space<hbm>> -> memref<1x128x32xf32, #tpu.memory_space<hbm>>
      %dma_wait3A_542 = tpu.memref_squeeze %dma_wait3A_541 : memref<1x128x32xf32, #tpu.memory_space<hbm>> -> memref<128x32xf32, #tpu.memory_space<hbm>>
      %dma_wait3A_543 = arith.constant 0 : i32
      %dma_wait3A_544 = tpu.memref_slice %arg6[%dma_wait3A_536, %mul3A_350, %dma_wait3A_543] : memref<13x65536x32xf32, #tpu.memory_space<hbm>> -> memref<1x128x32xf32, #tpu.memory_space<hbm>>
      %dma_wait3A_545 = tpu.memref_squeeze %dma_wait3A_544 : memref<1x128x32xf32, #tpu.memory_space<hbm>> -> memref<128x32xf32, #tpu.memory_space<hbm>>
      %dma_wait3A_546 = arith.constant 512 : i32
      %dma_wait3A_547 = arith.constant 0 : i32
      %dma_wait3A_548 = tpu.memref_slice %arg9[%dma_wait3A_546, %dma_wait3A_547] : memref<1664x32xf32, #tpu.memory_space<vmem>> -> memref<128x32xf32, #tpu.memory_space<vmem>>
      tpu.wait_dma2 semaphore(%arg11 : memref<!tpu.dma_semaphore, #tpu.memory_space<semaphore_mem>>) src(%dma_wait3A_548 : memref<128x32xf32, #tpu.memory_space<vmem>>) dst(%dma_wait3A_545 : memref<128x32xf32, #tpu.memory_space<hbm>>)
      %dma_wait3A_549 = arith.constant 5 : i32
      %dma_wait3A_550 = arith.constant 640 : i32
      %dma_wait3A_551 = arith.constant 0 : i32
      %dma_wait3A_552 = tpu.memref_slice %arg9[%dma_wait3A_550, %dma_wait3A_551] : memref<1664x32xf32, #tpu.memory_space<vmem>> -> memref<128x32xf32, #tpu.memory_space<vmem>>
      %dma_wait3A_553 = arith.constant 0 : i32
      %dma_wait3A_554 = tpu.memref_slice %arg6[%dma_wait3A_549, %mul3A_365, %dma_wait3A_553] : memref<13x65536x32xf32, #tpu.memory_space<hbm>> -> memref<1x128x32xf32, #tpu.memory_space<hbm>>
      %dma_wait3A_555 = tpu.memref_squeeze %dma_wait3A_554 : memref<1x128x32xf32, #tpu.memory_space<hbm>> -> memref<128x32xf32, #tpu.memory_space<hbm>>
      %dma_wait3A_556 = arith.constant 0 : i32
      %dma_wait3A_557 = tpu.memref_slice %arg6[%dma_wait3A_549, %mul3A_365, %dma_wait3A_556] : memref<13x65536x32xf32, #tpu.memory_space<hbm>> -> memref<1x128x32xf32, #tpu.memory_space<hbm>>
      %dma_wait3A_558 = tpu.memref_squeeze %dma_wait3A_557 : memref<1x128x32xf32, #tpu.memory_space<hbm>> -> memref<128x32xf32, #tpu.memory_space<hbm>>
      %dma_wait3A_559 = arith.constant 640 : i32
      %dma_wait3A_560 = arith.constant 0 : i32
      %dma_wait3A_561 = tpu.memref_slice %arg9[%dma_wait3A_559, %dma_wait3A_560] : memref<1664x32xf32, #tpu.memory_space<vmem>> -> memref<128x32xf32, #tpu.memory_space<vmem>>
      tpu.wait_dma2 semaphore(%arg11 : memref<!tpu.dma_semaphore, #tpu.memory_space<semaphore_mem>>) src(%dma_wait3A_561 : memref<128x32xf32, #tpu.memory_space<vmem>>) dst(%dma_wait3A_558 : memref<128x32xf32, #tpu.memory_space<hbm>>)
      %dma_wait3A_562 = arith.constant 6 : i32
      %dma_wait3A_563 = arith.constant 768 : i32
      %dma_wait3A_564 = arith.constant 0 : i32
      %dma_wait3A_565 = tpu.memref_slice %arg9[%dma_wait3A_563, %dma_wait3A_564] : memref<1664x32xf32, #tpu.memory_space<vmem>> -> memref<128x32xf32, #tpu.memory_space<vmem>>
      %dma_wait3A_566 = arith.constant 0 : i32
      %dma_wait3A_567 = tpu.memref_slice %arg6[%dma_wait3A_562, %mul3A_380, %dma_wait3A_566] : memref<13x65536x32xf32, #tpu.memory_space<hbm>> -> memref<1x128x32xf32, #tpu.memory_space<hbm>>
      %dma_wait3A_568 = tpu.memref_squeeze %dma_wait3A_567 : memref<1x128x32xf32, #tpu.memory_space<hbm>> -> memref<128x32xf32, #tpu.memory_space<hbm>>
      %dma_wait3A_569 = arith.constant 0 : i32
      %dma_wait3A_570 = tpu.memref_slice %arg6[%dma_wait3A_562, %mul3A_380, %dma_wait3A_569] : memref<13x65536x32xf32, #tpu.memory_space<hbm>> -> memref<1x128x32xf32, #tpu.memory_space<hbm>>
      %dma_wait3A_571 = tpu.memref_squeeze %dma_wait3A_570 : memref<1x128x32xf32, #tpu.memory_space<hbm>> -> memref<128x32xf32, #tpu.memory_space<hbm>>
      %dma_wait3A_572 = arith.constant 768 : i32
      %dma_wait3A_573 = arith.constant 0 : i32
      %dma_wait3A_574 = tpu.memref_slice %arg9[%dma_wait3A_572, %dma_wait3A_573] : memref<1664x32xf32, #tpu.memory_space<vmem>> -> memref<128x32xf32, #tpu.memory_space<vmem>>
      tpu.wait_dma2 semaphore(%arg11 : memref<!tpu.dma_semaphore, #tpu.memory_space<semaphore_mem>>) src(%dma_wait3A_574 : memref<128x32xf32, #tpu.memory_space<vmem>>) dst(%dma_wait3A_571 : memref<128x32xf32, #tpu.memory_space<hbm>>)
      %dma_wait3A_575 = arith.constant 7 : i32
      %dma_wait3A_576 = arith.constant 896 : i32
      %dma_wait3A_577 = arith.constant 0 : i32
      %dma_wait3A_578 = tpu.memref_slice %arg9[%dma_wait3A_576, %dma_wait3A_577] : memref<1664x32xf32, #tpu.memory_space<vmem>> -> memref<128x32xf32, #tpu.memory_space<vmem>>
      %dma_wait3A_579 = arith.constant 0 : i32
      %dma_wait3A_580 = tpu.memref_slice %arg6[%dma_wait3A_575, %mul3A_395, %dma_wait3A_579] : memref<13x65536x32xf32, #tpu.memory_space<hbm>> -> memref<1x128x32xf32, #tpu.memory_space<hbm>>
      %dma_wait3A_581 = tpu.memref_squeeze %dma_wait3A_580 : memref<1x128x32xf32, #tpu.memory_space<hbm>> -> memref<128x32xf32, #tpu.memory_space<hbm>>
      %dma_wait3A_582 = arith.constant 0 : i32
      %dma_wait3A_583 = tpu.memref_slice %arg6[%dma_wait3A_575, %mul3A_395, %dma_wait3A_582] : memref<13x65536x32xf32, #tpu.memory_space<hbm>> -> memref<1x128x32xf32, #tpu.memory_space<hbm>>
      %dma_wait3A_584 = tpu.memref_squeeze %dma_wait3A_583 : memref<1x128x32xf32, #tpu.memory_space<hbm>> -> memref<128x32xf32, #tpu.memory_space<hbm>>
      %dma_wait3A_585 = arith.constant 896 : i32
      %dma_wait3A_586 = arith.constant 0 : i32
      %dma_wait3A_587 = tpu.memref_slice %arg9[%dma_wait3A_585, %dma_wait3A_586] : memref<1664x32xf32, #tpu.memory_space<vmem>> -> memref<128x32xf32, #tpu.memory_space<vmem>>
      tpu.wait_dma2 semaphore(%arg11 : memref<!tpu.dma_semaphore, #tpu.memory_space<semaphore_mem>>) src(%dma_wait3A_587 : memref<128x32xf32, #tpu.memory_space<vmem>>) dst(%dma_wait3A_584 : memref<128x32xf32, #tpu.memory_space<hbm>>)
      %dma_wait3A_588 = arith.constant 8 : i32
      %dma_wait3A_589 = arith.constant 1024 : i32
      %dma_wait3A_590 = arith.constant 0 : i32
      %dma_wait3A_591 = tpu.memref_slice %arg9[%dma_wait3A_589, %dma_wait3A_590] : memref<1664x32xf32, #tpu.memory_space<vmem>> -> memref<128x32xf32, #tpu.memory_space<vmem>>
      %dma_wait3A_592 = arith.constant 0 : i32
      %dma_wait3A_593 = tpu.memref_slice %arg6[%dma_wait3A_588, %mul3A_410, %dma_wait3A_592] : memref<13x65536x32xf32, #tpu.memory_space<hbm>> -> memref<1x128x32xf32, #tpu.memory_space<hbm>>
      %dma_wait3A_594 = tpu.memref_squeeze %dma_wait3A_593 : memref<1x128x32xf32, #tpu.memory_space<hbm>> -> memref<128x32xf32, #tpu.memory_space<hbm>>
      %dma_wait3A_595 = arith.constant 0 : i32
      %dma_wait3A_596 = tpu.memref_slice %arg6[%dma_wait3A_588, %mul3A_410, %dma_wait3A_595] : memref<13x65536x32xf32, #tpu.memory_space<hbm>> -> memref<1x128x32xf32, #tpu.memory_space<hbm>>
      %dma_wait3A_597 = tpu.memref_squeeze %dma_wait3A_596 : memref<1x128x32xf32, #tpu.memory_space<hbm>> -> memref<128x32xf32, #tpu.memory_space<hbm>>
      %dma_wait3A_598 = arith.constant 1024 : i32
      %dma_wait3A_599 = arith.constant 0 : i32
      %dma_wait3A_600 = tpu.memref_slice %arg9[%dma_wait3A_598, %dma_wait3A_599] : memref<1664x32xf32, #tpu.memory_space<vmem>> -> memref<128x32xf32, #tpu.memory_space<vmem>>
      tpu.wait_dma2 semaphore(%arg11 : memref<!tpu.dma_semaphore, #tpu.memory_space<semaphore_mem>>) src(%dma_wait3A_600 : memref<128x32xf32, #tpu.memory_space<vmem>>) dst(%dma_wait3A_597 : memref<128x32xf32, #tpu.memory_space<hbm>>)
      %dma_wait3A_601 = arith.constant 9 : i32
      %dma_wait3A_602 = arith.constant 1152 : i32
      %dma_wait3A_603 = arith.constant 0 : i32
      %dma_wait3A_604 = tpu.memref_slice %arg9[%dma_wait3A_602, %dma_wait3A_603] : memref<1664x32xf32, #tpu.memory_space<vmem>> -> memref<128x32xf32, #tpu.memory_space<vmem>>
      %dma_wait3A_605 = arith.constant 0 : i32
      %dma_wait3A_606 = tpu.memref_slice %arg6[%dma_wait3A_601, %mul3A_425, %dma_wait3A_605] : memref<13x65536x32xf32, #tpu.memory_space<hbm>> -> memref<1x128x32xf32, #tpu.memory_space<hbm>>
      %dma_wait3A_607 = tpu.memref_squeeze %dma_wait3A_606 : memref<1x128x32xf32, #tpu.memory_space<hbm>> -> memref<128x32xf32, #tpu.memory_space<hbm>>
      %dma_wait3A_608 = arith.constant 0 : i32
      %dma_wait3A_609 = tpu.memref_slice %arg6[%dma_wait3A_601, %mul3A_425, %dma_wait3A_608] : memref<13x65536x32xf32, #tpu.memory_space<hbm>> -> memref<1x128x32xf32, #tpu.memory_space<hbm>>
      %dma_wait3A_610 = tpu.memref_squeeze %dma_wait3A_609 : memref<1x128x32xf32, #tpu.memory_space<hbm>> -> memref<128x32xf32, #tpu.memory_space<hbm>>
      %dma_wait3A_611 = arith.constant 1152 : i32
      %dma_wait3A_612 = arith.constant 0 : i32
      %dma_wait3A_613 = tpu.memref_slice %arg9[%dma_wait3A_611, %dma_wait3A_612] : memref<1664x32xf32, #tpu.memory_space<vmem>> -> memref<128x32xf32, #tpu.memory_space<vmem>>
      tpu.wait_dma2 semaphore(%arg11 : memref<!tpu.dma_semaphore, #tpu.memory_space<semaphore_mem>>) src(%dma_wait3A_613 : memref<128x32xf32, #tpu.memory_space<vmem>>) dst(%dma_wait3A_610 : memref<128x32xf32, #tpu.memory_space<hbm>>)
      %dma_wait3A_614 = arith.constant 10 : i32
      %dma_wait3A_615 = arith.constant 1280 : i32
      %dma_wait3A_616 = arith.constant 0 : i32
      %dma_wait3A_617 = tpu.memref_slice %arg9[%dma_wait3A_615, %dma_wait3A_616] : memref<1664x32xf32, #tpu.memory_space<vmem>> -> memref<128x32xf32, #tpu.memory_space<vmem>>
      %dma_wait3A_618 = arith.constant 0 : i32
      %dma_wait3A_619 = tpu.memref_slice %arg6[%dma_wait3A_614, %mul3A_440, %dma_wait3A_618] : memref<13x65536x32xf32, #tpu.memory_space<hbm>> -> memref<1x128x32xf32, #tpu.memory_space<hbm>>
      %dma_wait3A_620 = tpu.memref_squeeze %dma_wait3A_619 : memref<1x128x32xf32, #tpu.memory_space<hbm>> -> memref<128x32xf32, #tpu.memory_space<hbm>>
      %dma_wait3A_621 = arith.constant 0 : i32
      %dma_wait3A_622 = tpu.memref_slice %arg6[%dma_wait3A_614, %mul3A_440, %dma_wait3A_621] : memref<13x65536x32xf32, #tpu.memory_space<hbm>> -> memref<1x128x32xf32, #tpu.memory_space<hbm>>
      %dma_wait3A_623 = tpu.memref_squeeze %dma_wait3A_622 : memref<1x128x32xf32, #tpu.memory_space<hbm>> -> memref<128x32xf32, #tpu.memory_space<hbm>>
      %dma_wait3A_624 = arith.constant 1280 : i32
      %dma_wait3A_625 = arith.constant 0 : i32
      %dma_wait3A_626 = tpu.memref_slice %arg9[%dma_wait3A_624, %dma_wait3A_625] : memref<1664x32xf32, #tpu.memory_space<vmem>> -> memref<128x32xf32, #tpu.memory_space<vmem>>
      tpu.wait_dma2 semaphore(%arg11 : memref<!tpu.dma_semaphore, #tpu.memory_space<semaphore_mem>>) src(%dma_wait3A_626 : memref<128x32xf32, #tpu.memory_space<vmem>>) dst(%dma_wait3A_623 : memref<128x32xf32, #tpu.memory_space<hbm>>)
      %dma_wait3A_627 = arith.constant 11 : i32
      %dma_wait3A_628 = arith.constant 1408 : i32
      %dma_wait3A_629 = arith.constant 0 : i32
      %dma_wait3A_630 = tpu.memref_slice %arg9[%dma_wait3A_628, %dma_wait3A_629] : memref<1664x32xf32, #tpu.memory_space<vmem>> -> memref<128x32xf32, #tpu.memory_space<vmem>>
      %dma_wait3A_631 = arith.constant 0 : i32
      %dma_wait3A_632 = tpu.memref_slice %arg6[%dma_wait3A_627, %mul3A_455, %dma_wait3A_631] : memref<13x65536x32xf32, #tpu.memory_space<hbm>> -> memref<1x128x32xf32, #tpu.memory_space<hbm>>
      %dma_wait3A_633 = tpu.memref_squeeze %dma_wait3A_632 : memref<1x128x32xf32, #tpu.memory_space<hbm>> -> memref<128x32xf32, #tpu.memory_space<hbm>>
      %dma_wait3A_634 = arith.constant 0 : i32
      %dma_wait3A_635 = tpu.memref_slice %arg6[%dma_wait3A_627, %mul3A_455, %dma_wait3A_634] : memref<13x65536x32xf32, #tpu.memory_space<hbm>> -> memref<1x128x32xf32, #tpu.memory_space<hbm>>
      %dma_wait3A_636 = tpu.memref_squeeze %dma_wait3A_635 : memref<1x128x32xf32, #tpu.memory_space<hbm>> -> memref<128x32xf32, #tpu.memory_space<hbm>>
      %dma_wait3A_637 = arith.constant 1408 : i32
      %dma_wait3A_638 = arith.constant 0 : i32
      %dma_wait3A_639 = tpu.memref_slice %arg9[%dma_wait3A_637, %dma_wait3A_638] : memref<1664x32xf32, #tpu.memory_space<vmem>> -> memref<128x32xf32, #tpu.memory_space<vmem>>
      tpu.wait_dma2 semaphore(%arg11 : memref<!tpu.dma_semaphore, #tpu.memory_space<semaphore_mem>>) src(%dma_wait3A_639 : memref<128x32xf32, #tpu.memory_space<vmem>>) dst(%dma_wait3A_636 : memref<128x32xf32, #tpu.memory_space<hbm>>)
      %dma_wait3A_640 = arith.constant 12 : i32
      %dma_wait3A_641 = arith.constant 1536 : i32
      %dma_wait3A_642 = arith.constant 0 : i32
      %dma_wait3A_643 = tpu.memref_slice %arg9[%dma_wait3A_641, %dma_wait3A_642] : memref<1664x32xf32, #tpu.memory_space<vmem>> -> memref<128x32xf32, #tpu.memory_space<vmem>>
      %dma_wait3A_644 = arith.constant 0 : i32
      %dma_wait3A_645 = tpu.memref_slice %arg6[%dma_wait3A_640, %mul3A_470, %dma_wait3A_644] : memref<13x65536x32xf32, #tpu.memory_space<hbm>> -> memref<1x128x32xf32, #tpu.memory_space<hbm>>
      %dma_wait3A_646 = tpu.memref_squeeze %dma_wait3A_645 : memref<1x128x32xf32, #tpu.memory_space<hbm>> -> memref<128x32xf32, #tpu.memory_space<hbm>>
      %dma_wait3A_647 = arith.constant 0 : i32
      %dma_wait3A_648 = tpu.memref_slice %arg6[%dma_wait3A_640, %mul3A_470, %dma_wait3A_647] : memref<13x65536x32xf32, #tpu.memory_space<hbm>> -> memref<1x128x32xf32, #tpu.memory_space<hbm>>
      %dma_wait3A_649 = tpu.memref_squeeze %dma_wait3A_648 : memref<1x128x32xf32, #tpu.memory_space<hbm>> -> memref<128x32xf32, #tpu.memory_space<hbm>>
      %dma_wait3A_650 = arith.constant 1536 : i32
      %dma_wait3A_651 = arith.constant 0 : i32
      %dma_wait3A_652 = tpu.memref_slice %arg9[%dma_wait3A_650, %dma_wait3A_651] : memref<1664x32xf32, #tpu.memory_space<vmem>> -> memref<128x32xf32, #tpu.memory_space<vmem>>
      tpu.wait_dma2 semaphore(%arg11 : memref<!tpu.dma_semaphore, #tpu.memory_space<semaphore_mem>>) src(%dma_wait3A_652 : memref<128x32xf32, #tpu.memory_space<vmem>>) dst(%dma_wait3A_649 : memref<128x32xf32, #tpu.memory_space<hbm>>)
    }
    %scan3A_5 = arith.constant 16 : i32
    %mul3A_6 = arith.constant 512 : i32
    %mul3A_7 = arith.muli %add3A, %mul3A_6 : i32
    "tpu.region"() ({
      %run_scoped3A = tpu.sem_alloc : memref<!tpu.dma_semaphore, #tpu.memory_space<semaphore_mem>>
      %dma_start3A_70 = arith.constant 0 : i32
      %dma_start3A_71 = tpu.memref_slice %arg8[%dma_start3A_70] : memref<1664xi32, #tpu.memory_space<vmem>> -> memref<512xi32, #tpu.memory_space<vmem>>
      %dma_start3A_72 = tpu.memref_slice %arg5[%mul3A_7] : memref<16384xi32, #tpu.memory_space<hbm>> -> memref<512xi32, #tpu.memory_space<hbm>>
      %dma_start3A_73 = arith.constant 0 : i32
      %dma_start3A_74 = tpu.memref_slice %arg8[%dma_start3A_73] : memref<1664xi32, #tpu.memory_space<vmem>> -> memref<512xi32, #tpu.memory_space<vmem>>
      %dma_start3A_75 = tpu.memref_slice %arg5[%mul3A_7] : memref<16384xi32, #tpu.memory_space<hbm>> -> memref<512xi32, #tpu.memory_space<hbm>>
      tpu.enqueue_dma source(%dma_start3A_75 : memref<512xi32, #tpu.memory_space<hbm>>) target(%dma_start3A_74 : memref<512xi32, #tpu.memory_space<vmem>>) target_semaphore(%run_scoped3A : memref<!tpu.dma_semaphore, #tpu.memory_space<semaphore_mem>>)
      %dma_wait3A_76 = arith.constant 0 : i32
      %dma_wait3A_77 = tpu.memref_slice %arg8[%dma_wait3A_76] : memref<1664xi32, #tpu.memory_space<vmem>> -> memref<512xi32, #tpu.memory_space<vmem>>
      %dma_wait3A_78 = tpu.memref_slice %arg5[%mul3A_7] : memref<16384xi32, #tpu.memory_space<hbm>> -> memref<512xi32, #tpu.memory_space<hbm>>
      %dma_wait3A_79 = arith.constant 0 : i32
      %dma_wait3A_80 = tpu.memref_slice %arg8[%dma_wait3A_79] : memref<1664xi32, #tpu.memory_space<vmem>> -> memref<512xi32, #tpu.memory_space<vmem>>
      %dma_wait3A_81 = tpu.memref_slice %arg5[%mul3A_7] : memref<16384xi32, #tpu.memory_space<hbm>> -> memref<512xi32, #tpu.memory_space<hbm>>
      tpu.wait_dma2 semaphore(%run_scoped3A : memref<!tpu.dma_semaphore, #tpu.memory_space<semaphore_mem>>) src(%dma_wait3A_81 : memref<512xi32, #tpu.memory_space<hbm>>) dst(%dma_wait3A_80 : memref<512xi32, #tpu.memory_space<vmem>>)
      tpu.yield
    }) : () -> ()
    %dma_start3A = arith.constant 0 : i32
    %dma_start3A_8 = arith.constant 0 : i32
    %dma_start3A_9 = tpu.memref_slice %arg9[%dma_start3A, %dma_start3A_8] : memref<1664x32xf32, #tpu.memory_space<vmem>> -> memref<128x32xf32, #tpu.memory_space<vmem>>
    %dma_start3A_10 = arith.constant 0 : i32
    %dma_start3A_11 = tpu.memref_slice %arg8[%dma_start3A_10] : memref<1664xi32, #tpu.memory_space<vmem>> -> memref<128xi32, #tpu.memory_space<vmem>>
    %dma_start3A_12 = arith.constant 0 : i32
    %dma_start3A_13 = arith.constant 0 : i32
    %dma_start3A_14 = tpu.memref_slice %arg3[%dma_start3A_12, %dma_start3A_13] : memref<1000000x32xf32, #tpu.memory_space<hbm>> -> memref<1000000x32xf32, #tpu.memory_space<hbm>>
    tpu.enqueue_indirect_dma source(%dma_start3A_14 : memref<1000000x32xf32, #tpu.memory_space<hbm>>) target(%dma_start3A_9 : memref<128x32xf32, #tpu.memory_space<vmem>>) offsets(%dma_start3A_11 : memref<128xi32, #tpu.memory_space<vmem>>) semaphore(%arg10 : memref<!tpu.dma_semaphore, #tpu.memory_space<semaphore_mem>>)
    %dma_start3A_15 = arith.constant 128 : i32
    %dma_start3A_16 = arith.constant 0 : i32
    %dma_start3A_17 = tpu.memref_slice %arg9[%dma_start3A_15, %dma_start3A_16] : memref<1664x32xf32, #tpu.memory_space<vmem>> -> memref<128x32xf32, #tpu.memory_space<vmem>>
    %dma_start3A_18 = arith.constant 128 : i32
    %dma_start3A_19 = tpu.memref_slice %arg8[%dma_start3A_18] : memref<1664xi32, #tpu.memory_space<vmem>> -> memref<128xi32, #tpu.memory_space<vmem>>
    %dma_start3A_20 = arith.constant 0 : i32
    %dma_start3A_21 = arith.constant 0 : i32
    %dma_start3A_22 = tpu.memref_slice %arg3[%dma_start3A_20, %dma_start3A_21] : memref<1000000x32xf32, #tpu.memory_space<hbm>> -> memref<1000000x32xf32, #tpu.memory_space<hbm>>
    tpu.enqueue_indirect_dma source(%dma_start3A_22 : memref<1000000x32xf32, #tpu.memory_space<hbm>>) target(%dma_start3A_17 : memref<128x32xf32, #tpu.memory_space<vmem>>) offsets(%dma_start3A_19 : memref<128xi32, #tpu.memory_space<vmem>>) semaphore(%arg10 : memref<!tpu.dma_semaphore, #tpu.memory_space<semaphore_mem>>)
    %dma_start3A_23 = arith.constant 256 : i32
    %dma_start3A_24 = arith.constant 0 : i32
    %dma_start3A_25 = tpu.memref_slice %arg9[%dma_start3A_23, %dma_start3A_24] : memref<1664x32xf32, #tpu.memory_space<vmem>> -> memref<128x32xf32, #tpu.memory_space<vmem>>
    %dma_start3A_26 = arith.constant 256 : i32
    %dma_start3A_27 = tpu.memref_slice %arg8[%dma_start3A_26] : memref<1664xi32, #tpu.memory_space<vmem>> -> memref<128xi32, #tpu.memory_space<vmem>>
    %dma_start3A_28 = arith.constant 0 : i32
    %dma_start3A_29 = arith.constant 0 : i32
    %dma_start3A_30 = tpu.memref_slice %arg3[%dma_start3A_28, %dma_start3A_29] : memref<1000000x32xf32, #tpu.memory_space<hbm>> -> memref<1000000x32xf32, #tpu.memory_space<hbm>>
    tpu.enqueue_indirect_dma source(%dma_start3A_30 : memref<1000000x32xf32, #tpu.memory_space<hbm>>) target(%dma_start3A_25 : memref<128x32xf32, #tpu.memory_space<vmem>>) offsets(%dma_start3A_27 : memref<128xi32, #tpu.memory_space<vmem>>) semaphore(%arg10 : memref<!tpu.dma_semaphore, #tpu.memory_space<semaphore_mem>>)
    %dma_start3A_31 = arith.constant 384 : i32
    %dma_start3A_32 = arith.constant 0 : i32
    %dma_start3A_33 = tpu.memref_slice %arg9[%dma_start3A_31, %dma_start3A_32] : memref<1664x32xf32, #tpu.memory_space<vmem>> -> memref<128x32xf32, #tpu.memory_space<vmem>>
    %dma_start3A_34 = arith.constant 384 : i32
    %dma_start3A_35 = tpu.memref_slice %arg8[%dma_start3A_34] : memref<1664xi32, #tpu.memory_space<vmem>> -> memref<128xi32, #tpu.memory_space<vmem>>
    %dma_start3A_36 = arith.constant 0 : i32
    %dma_start3A_37 = arith.constant 0 : i32
    %dma_start3A_38 = tpu.memref_slice %arg3[%dma_start3A_36, %dma_start3A_37] : memref<1000000x32xf32, #tpu.memory_space<hbm>> -> memref<1000000x32xf32, #tpu.memory_space<hbm>>
    tpu.enqueue_indirect_dma source(%dma_start3A_38 : memref<1000000x32xf32, #tpu.memory_space<hbm>>) target(%dma_start3A_33 : memref<128x32xf32, #tpu.memory_space<vmem>>) offsets(%dma_start3A_35 : memref<128xi32, #tpu.memory_space<vmem>>) semaphore(%arg10 : memref<!tpu.dma_semaphore, #tpu.memory_space<semaphore_mem>>)
    %dma_wait3A = arith.constant 0 : i32
    %dma_wait3A_39 = arith.constant 0 : i32
    %dma_wait3A_40 = tpu.memref_slice %arg9[%dma_wait3A, %dma_wait3A_39] : memref<1664x32xf32, #tpu.memory_space<vmem>> -> memref<128x32xf32, #tpu.memory_space<vmem>>
    %dma_wait3A_41 = arith.constant 0 : i32
    %dma_wait3A_42 = tpu.memref_slice %arg8[%dma_wait3A_41] : memref<1664xi32, #tpu.memory_space<vmem>> -> memref<128xi32, #tpu.memory_space<vmem>>
    %dma_wait3A_43 = arith.constant 0 : i32
    %dma_wait3A_44 = arith.constant 0 : i32
    %dma_wait3A_45 = tpu.memref_slice %arg3[%dma_wait3A_43, %dma_wait3A_44] : memref<1000000x32xf32, #tpu.memory_space<hbm>> -> memref<1000000x32xf32, #tpu.memory_space<hbm>>
    tpu.wait_indirect_dma semaphore(%arg10 : memref<!tpu.dma_semaphore, #tpu.memory_space<semaphore_mem>>) src(%dma_wait3A_45 : memref<1000000x32xf32, #tpu.memory_space<hbm>>) dst(%dma_wait3A_40 : memref<128x32xf32, #tpu.memory_space<vmem>>)
    %dma_wait3A_46 = arith.constant 128 : i32
    %dma_wait3A_47 = arith.constant 0 : i32
    %dma_wait3A_48 = tpu.memref_slice %arg9[%dma_wait3A_46, %dma_wait3A_47] : memref<1664x32xf32, #tpu.memory_space<vmem>> -> memref<128x32xf32, #tpu.memory_space<vmem>>
    %dma_wait3A_49 = arith.constant 128 : i32
    %dma_wait3A_50 = tpu.memref_slice %arg8[%dma_wait3A_49] : memref<1664xi32, #tpu.memory_space<vmem>> -> memref<128xi32, #tpu.memory_space<vmem>>
    %dma_wait3A_51 = arith.constant 0 : i32
    %dma_wait3A_52 = arith.constant 0 : i32
    %dma_wait3A_53 = tpu.memref_slice %arg3[%dma_wait3A_51, %dma_wait3A_52] : memref<1000000x32xf32, #tpu.memory_space<hbm>> -> memref<1000000x32xf32, #tpu.memory_space<hbm>>
    tpu.wait_indirect_dma semaphore(%arg10 : memref<!tpu.dma_semaphore, #tpu.memory_space<semaphore_mem>>) src(%dma_wait3A_53 : memref<1000000x32xf32, #tpu.memory_space<hbm>>) dst(%dma_wait3A_48 : memref<128x32xf32, #tpu.memory_space<vmem>>)
    %dma_wait3A_54 = arith.constant 256 : i32
    %dma_wait3A_55 = arith.constant 0 : i32
    %dma_wait3A_56 = tpu.memref_slice %arg9[%dma_wait3A_54, %dma_wait3A_55] : memref<1664x32xf32, #tpu.memory_space<vmem>> -> memref<128x32xf32, #tpu.memory_space<vmem>>
    %dma_wait3A_57 = arith.constant 256 : i32
    %dma_wait3A_58 = tpu.memref_slice %arg8[%dma_wait3A_57] : memref<1664xi32, #tpu.memory_space<vmem>> -> memref<128xi32, #tpu.memory_space<vmem>>
    %dma_wait3A_59 = arith.constant 0 : i32
    %dma_wait3A_60 = arith.constant 0 : i32
    %dma_wait3A_61 = tpu.memref_slice %arg3[%dma_wait3A_59, %dma_wait3A_60] : memref<1000000x32xf32, #tpu.memory_space<hbm>> -> memref<1000000x32xf32, #tpu.memory_space<hbm>>
    tpu.wait_indirect_dma semaphore(%arg10 : memref<!tpu.dma_semaphore, #tpu.memory_space<semaphore_mem>>) src(%dma_wait3A_61 : memref<1000000x32xf32, #tpu.memory_space<hbm>>) dst(%dma_wait3A_56 : memref<128x32xf32, #tpu.memory_space<vmem>>)
    %dma_wait3A_62 = arith.constant 384 : i32
    %dma_wait3A_63 = arith.constant 0 : i32
    %dma_wait3A_64 = tpu.memref_slice %arg9[%dma_wait3A_62, %dma_wait3A_63] : memref<1664x32xf32, #tpu.memory_space<vmem>> -> memref<128x32xf32, #tpu.memory_space<vmem>>
    %dma_wait3A_65 = arith.constant 384 : i32
    %dma_wait3A_66 = tpu.memref_slice %arg8[%dma_wait3A_65] : memref<1664xi32, #tpu.memory_space<vmem>> -> memref<128xi32, #tpu.memory_space<vmem>>
    %dma_wait3A_67 = arith.constant 0 : i32
    %dma_wait3A_68 = arith.constant 0 : i32
    %dma_wait3A_69 = tpu.memref_slice %arg3[%dma_wait3A_67, %dma_wait3A_68] : memref<1000000x32xf32, #tpu.memory_space<hbm>> -> memref<1000000x32xf32, #tpu.memory_space<hbm>>
    tpu.wait_indirect_dma semaphore(%arg10 : memref<!tpu.dma_semaphore, #tpu.memory_space<semaphore_mem>>) src(%dma_wait3A_69 : memref<1000000x32xf32, #tpu.memory_space<hbm>>) dst(%dma_wait3A_64 : memref<128x32xf32, #tpu.memory_space<vmem>>)
    "tpu.region"() ({
      %run_scoped3A = tpu.sem_alloc : memref<!tpu.dma_semaphore, #tpu.memory_space<semaphore_mem>>
      %dma_start3A_70 = arith.constant 0 : i32
      %dma_start3A_71 = arith.constant 0 : i32
      %dma_start3A_72 = tpu.memref_slice %arg9[%dma_start3A_70, %dma_start3A_71] : memref<1664x32xf32, #tpu.memory_space<vmem>> -> memref<512x32xf32, #tpu.memory_space<vmem>>
      %dma_start3A_73 = arith.constant 0 : i32
      %dma_start3A_74 = tpu.memref_slice %arg7[%mul3A_7, %dma_start3A_73] : memref<16384x32xf32, #tpu.memory_space<hbm>> -> memref<512x32xf32, #tpu.memory_space<hbm>>
      %dma_start3A_75 = arith.constant 0 : i32
      %dma_start3A_76 = tpu.memref_slice %arg7[%mul3A_7, %dma_start3A_75] : memref<16384x32xf32, #tpu.memory_space<hbm>> -> memref<512x32xf32, #tpu.memory_space<hbm>>
      %dma_start3A_77 = arith.constant 0 : i32
      %dma_start3A_78 = arith.constant 0 : i32
      %dma_start3A_79 = tpu.memref_slice %arg9[%dma_start3A_77, %dma_start3A_78] : memref<1664x32xf32, #tpu.memory_space<vmem>> -> memref<512x32xf32, #tpu.memory_space<vmem>>
      tpu.enqueue_dma source(%dma_start3A_79 : memref<512x32xf32, #tpu.memory_space<vmem>>) target(%dma_start3A_76 : memref<512x32xf32, #tpu.memory_space<hbm>>) target_semaphore(%run_scoped3A : memref<!tpu.dma_semaphore, #tpu.memory_space<semaphore_mem>>)
      %dma_wait3A_80 = arith.constant 0 : i32
      %dma_wait3A_81 = arith.constant 0 : i32
      %dma_wait3A_82 = tpu.memref_slice %arg9[%dma_wait3A_80, %dma_wait3A_81] : memref<1664x32xf32, #tpu.memory_space<vmem>> -> memref<512x32xf32, #tpu.memory_space<vmem>>
      %dma_wait3A_83 = arith.constant 0 : i32
      %dma_wait3A_84 = tpu.memref_slice %arg7[%mul3A_7, %dma_wait3A_83] : memref<16384x32xf32, #tpu.memory_space<hbm>> -> memref<512x32xf32, #tpu.memory_space<hbm>>
      %dma_wait3A_85 = arith.constant 0 : i32
      %dma_wait3A_86 = tpu.memref_slice %arg7[%mul3A_7, %dma_wait3A_85] : memref<16384x32xf32, #tpu.memory_space<hbm>> -> memref<512x32xf32, #tpu.memory_space<hbm>>
      %dma_wait3A_87 = arith.constant 0 : i32
      %dma_wait3A_88 = arith.constant 0 : i32
      %dma_wait3A_89 = tpu.memref_slice %arg9[%dma_wait3A_87, %dma_wait3A_88] : memref<1664x32xf32, #tpu.memory_space<vmem>> -> memref<512x32xf32, #tpu.memory_space<vmem>>
      tpu.wait_dma2 semaphore(%run_scoped3A : memref<!tpu.dma_semaphore, #tpu.memory_space<semaphore_mem>>) src(%dma_wait3A_89 : memref<512x32xf32, #tpu.memory_space<vmem>>) dst(%dma_wait3A_86 : memref<512x32xf32, #tpu.memory_space<hbm>>)
      tpu.yield
    }) : () -> ()
    return
  }
}

module attributes {stable_mosaic.version = 14 : i64} {
  func.func @_dense_body(%arg0: i32, %arg1: memref<13x256x128xf32, #tpu.memory_space<vmem>>, %arg2: memref<256x52xi32, #tpu.memory_space<vmem>>, %arg3: memref<256x32xf32, #tpu.memory_space<vmem>>, %arg4: memref<256x1xi32, #tpu.memory_space<vmem>>, %arg5: memref<32x32xf32, #tpu.memory_space<vmem>>, %arg6: memref<1x32xf32, #tpu.memory_space<vmem>>, %arg7: memref<32x32xf32, #tpu.memory_space<vmem>>, %arg8: memref<1x32xf32, #tpu.memory_space<vmem>>, %arg9: memref<32x128xf32, #tpu.memory_space<vmem>>, %arg10: memref<32x128xf32, #tpu.memory_space<vmem>>, %arg11: memref<1x128xf32, #tpu.memory_space<vmem>>, %arg12: memref<128x32xf32, #tpu.memory_space<vmem>>, %arg13: memref<1x32xf32, #tpu.memory_space<vmem>>, %arg14: memref<256x32xf32, #tpu.memory_space<vmem>>) attributes {dimension_semantics = [#tpu.dimension_semantics<arbitrary>], iteration_bounds = array<i64: 64>, scalar_prefetch = 0 : i64, scratch_operands = 0 : i64, tpu.core_type = #tpu.core_type<tc>, window_params = [{transform_indices = @transform_0, window_bounds = array<i64: 13, 256, 128>}, {transform_indices = @transform_1, window_bounds = array<i64: 256, 52>}, {transform_indices = @transform_2, window_bounds = array<i64: 256, 32>}, {transform_indices = @transform_3, window_bounds = array<i64: 256, 1>}, {pipeline_mode = #tpu.pipeline_mode<synchronous>, transform_indices = @transform_4, window_bounds = array<i64: 32, 32>}, {pipeline_mode = #tpu.pipeline_mode<synchronous>, transform_indices = @transform_5, window_bounds = array<i64: 1, 32>}, {pipeline_mode = #tpu.pipeline_mode<synchronous>, transform_indices = @transform_6, window_bounds = array<i64: 32, 32>}, {pipeline_mode = #tpu.pipeline_mode<synchronous>, transform_indices = @transform_7, window_bounds = array<i64: 1, 32>}, {pipeline_mode = #tpu.pipeline_mode<synchronous>, transform_indices = @transform_8, window_bounds = array<i64: 32, 128>}, {pipeline_mode = #tpu.pipeline_mode<synchronous>, transform_indices = @transform_9, window_bounds = array<i64: 32, 128>}, {pipeline_mode = #tpu.pipeline_mode<synchronous>, transform_indices = @transform_10, window_bounds = array<i64: 1, 128>}, {pipeline_mode = #tpu.pipeline_mode<synchronous>, transform_indices = @transform_11, window_bounds = array<i64: 128, 32>}, {pipeline_mode = #tpu.pipeline_mode<synchronous>, transform_indices = @transform_12, window_bounds = array<i64: 1, 32>}, {transform_indices = @transform_13, window_bounds = array<i64: 256, 32>}]} {
    %get3A = arith.constant 0 : index
    %get3A_0 = arith.constant 0 : index
    %get3A_1 = vector.load %arg2[%get3A, %get3A_0] : memref<256x52xi32, #tpu.memory_space<vmem>>, vector<256x52xi32>
    %ne3A = arith.constant 0 : i32
    %ne3A_2 = vector.broadcast %ne3A : i32 to vector<256x52xi32>
    %ne3A_3 = arith.cmpi ne, %get3A_1, %ne3A_2 : vector<256x52xi32>
    %convert_element_type3A = arith.extui %ne3A_3 : vector<256x52xi1> to vector<256x52xi32>
    %convert_element_type3A_4 = arith.sitofp %convert_element_type3A : vector<256x52xi32> to vector<256x52xf32>
    %get3A_5 = arith.constant 0 : index
    %get3A_6 = arith.constant 0 : index
    %get3A_7 = arith.constant 0 : index
    %get3A_8 = vector.load %arg1[%get3A_5, %get3A_6, %get3A_7] : memref<13x256x128xf32, #tpu.memory_space<vmem>>, vector<1x256x128xf32>
    %get3A_9 = vector.shape_cast %get3A_8 : vector<1x256x128xf32> to vector<256x128xf32>
    %get3A_10 = arith.constant 1 : index
    %get3A_11 = arith.constant 0 : index
    %get3A_12 = arith.constant 0 : index
    %get3A_13 = vector.load %arg1[%get3A_10, %get3A_11, %get3A_12] : memref<13x256x128xf32, #tpu.memory_space<vmem>>, vector<1x256x128xf32>
    %get3A_14 = vector.shape_cast %get3A_13 : vector<1x256x128xf32> to vector<256x128xf32>
    %get3A_15 = arith.constant 2 : index
    %get3A_16 = arith.constant 0 : index
    %get3A_17 = arith.constant 0 : index
    %get3A_18 = vector.load %arg1[%get3A_15, %get3A_16, %get3A_17] : memref<13x256x128xf32, #tpu.memory_space<vmem>>, vector<1x256x128xf32>
    %get3A_19 = vector.shape_cast %get3A_18 : vector<1x256x128xf32> to vector<256x128xf32>
    %get3A_20 = arith.constant 3 : index
    %get3A_21 = arith.constant 0 : index
    %get3A_22 = arith.constant 0 : index
    %get3A_23 = vector.load %arg1[%get3A_20, %get3A_21, %get3A_22] : memref<13x256x128xf32, #tpu.memory_space<vmem>>, vector<1x256x128xf32>
    %get3A_24 = vector.shape_cast %get3A_23 : vector<1x256x128xf32> to vector<256x128xf32>
    %get3A_25 = arith.constant 4 : index
    %get3A_26 = arith.constant 0 : index
    %get3A_27 = arith.constant 0 : index
    %get3A_28 = vector.load %arg1[%get3A_25, %get3A_26, %get3A_27] : memref<13x256x128xf32, #tpu.memory_space<vmem>>, vector<1x256x128xf32>
    %get3A_29 = vector.shape_cast %get3A_28 : vector<1x256x128xf32> to vector<256x128xf32>
    %get3A_30 = arith.constant 5 : index
    %get3A_31 = arith.constant 0 : index
    %get3A_32 = arith.constant 0 : index
    %get3A_33 = vector.load %arg1[%get3A_30, %get3A_31, %get3A_32] : memref<13x256x128xf32, #tpu.memory_space<vmem>>, vector<1x256x128xf32>
    %get3A_34 = vector.shape_cast %get3A_33 : vector<1x256x128xf32> to vector<256x128xf32>
    %get3A_35 = arith.constant 6 : index
    %get3A_36 = arith.constant 0 : index
    %get3A_37 = arith.constant 0 : index
    %get3A_38 = vector.load %arg1[%get3A_35, %get3A_36, %get3A_37] : memref<13x256x128xf32, #tpu.memory_space<vmem>>, vector<1x256x128xf32>
    %get3A_39 = vector.shape_cast %get3A_38 : vector<1x256x128xf32> to vector<256x128xf32>
    %get3A_40 = arith.constant 7 : index
    %get3A_41 = arith.constant 0 : index
    %get3A_42 = arith.constant 0 : index
    %get3A_43 = vector.load %arg1[%get3A_40, %get3A_41, %get3A_42] : memref<13x256x128xf32, #tpu.memory_space<vmem>>, vector<1x256x128xf32>
    %get3A_44 = vector.shape_cast %get3A_43 : vector<1x256x128xf32> to vector<256x128xf32>
    %get3A_45 = arith.constant 8 : index
    %get3A_46 = arith.constant 0 : index
    %get3A_47 = arith.constant 0 : index
    %get3A_48 = vector.load %arg1[%get3A_45, %get3A_46, %get3A_47] : memref<13x256x128xf32, #tpu.memory_space<vmem>>, vector<1x256x128xf32>
    %get3A_49 = vector.shape_cast %get3A_48 : vector<1x256x128xf32> to vector<256x128xf32>
    %get3A_50 = arith.constant 9 : index
    %get3A_51 = arith.constant 0 : index
    %get3A_52 = arith.constant 0 : index
    %get3A_53 = vector.load %arg1[%get3A_50, %get3A_51, %get3A_52] : memref<13x256x128xf32, #tpu.memory_space<vmem>>, vector<1x256x128xf32>
    %get3A_54 = vector.shape_cast %get3A_53 : vector<1x256x128xf32> to vector<256x128xf32>
    %get3A_55 = arith.constant 10 : index
    %get3A_56 = arith.constant 0 : index
    %get3A_57 = arith.constant 0 : index
    %get3A_58 = vector.load %arg1[%get3A_55, %get3A_56, %get3A_57] : memref<13x256x128xf32, #tpu.memory_space<vmem>>, vector<1x256x128xf32>
    %get3A_59 = vector.shape_cast %get3A_58 : vector<1x256x128xf32> to vector<256x128xf32>
    %get3A_60 = arith.constant 11 : index
    %get3A_61 = arith.constant 0 : index
    %get3A_62 = arith.constant 0 : index
    %get3A_63 = vector.load %arg1[%get3A_60, %get3A_61, %get3A_62] : memref<13x256x128xf32, #tpu.memory_space<vmem>>, vector<1x256x128xf32>
    %get3A_64 = vector.shape_cast %get3A_63 : vector<1x256x128xf32> to vector<256x128xf32>
    %get3A_65 = arith.constant 12 : index
    %get3A_66 = arith.constant 0 : index
    %get3A_67 = arith.constant 0 : index
    %get3A_68 = vector.load %arg1[%get3A_65, %get3A_66, %get3A_67] : memref<13x256x128xf32, #tpu.memory_space<vmem>>, vector<1x256x128xf32>
    %get3A_69 = vector.shape_cast %get3A_68 : vector<1x256x128xf32> to vector<256x128xf32>
    %concatenate3A = tpu.concatenate %get3A_9, %get3A_14, %get3A_19, %get3A_24, %get3A_29, %get3A_34, %get3A_39, %get3A_44, %get3A_49, %get3A_54, %get3A_59, %get3A_64, %get3A_69 in 1 : vector<256x128xf32>, vector<256x128xf32>, vector<256x128xf32>, vector<256x128xf32>, vector<256x128xf32>, vector<256x128xf32>, vector<256x128xf32>, vector<256x128xf32>, vector<256x128xf32>, vector<256x128xf32>, vector<256x128xf32>, vector<256x128xf32>, vector<256x128xf32> -> vector<256x1664xf32>
    %iota3A = tpu.iota {dimensions = array<i32: 1>} : vector<52x1664xi32>
    %jit3A = arith.constant 32 : i32
    %div3A = vector.broadcast %jit3A : i32 to vector<52x1664xi32>
    %div3A_70 = arith.divsi %iota3A, %div3A : vector<52x1664xi32>
    %sign3A = arith.constant 0 : i32
    %sign3A_71 = vector.broadcast %sign3A : i32 to vector<52x1664xi32>
    %sign3A_72 = arith.cmpi sgt, %iota3A, %sign3A_71 : vector<52x1664xi32>
    %sign3A_73 = arith.extui %sign3A_72 : vector<52x1664xi1> to vector<52x1664xi32>
    %sign3A_74 = arith.constant 0 : i32
    %sign3A_75 = vector.broadcast %sign3A_74 : i32 to vector<52x1664xi32>
    %sign3A_76 = arith.cmpi slt, %iota3A, %sign3A_75 : vector<52x1664xi32>
    %sign3A_77 = arith.extui %sign3A_76 : vector<52x1664xi1> to vector<52x1664xi32>
    %sign3A_78 = arith.subi %sign3A_73, %sign3A_77 : vector<52x1664xi32>
    %sign3A_79 = arith.constant 0 : i32
    %sign3A_80 = arith.cmpi sgt, %jit3A, %sign3A_79 : i32
    %sign3A_81 = arith.extui %sign3A_80 : i1 to i32
    %sign3A_82 = arith.constant 0 : i32
    %sign3A_83 = arith.cmpi slt, %jit3A, %sign3A_82 : i32
    %sign3A_84 = arith.extui %sign3A_83 : i1 to i32
    %sign3A_85 = arith.subi %sign3A_81, %sign3A_84 : i32
    %ne3A_86 = vector.broadcast %sign3A_85 : i32 to vector<52x1664xi32>
    %ne3A_87 = arith.cmpi ne, %sign3A_78, %ne3A_86 : vector<52x1664xi32>
    %rem3A = vector.broadcast %jit3A : i32 to vector<52x1664xi32>
    %rem3A_88 = arith.remsi %iota3A, %rem3A : vector<52x1664xi32>
    %ne3A_89 = arith.constant 0 : i32
    %ne3A_90 = vector.broadcast %ne3A_89 : i32 to vector<52x1664xi32>
    %ne3A_91 = arith.cmpi ne, %rem3A_88, %ne3A_90 : vector<52x1664xi32>
    %and3A = arith.andi %ne3A_87, %ne3A_91 : vector<52x1664xi1>
    %sub3A = arith.constant 1 : i32
    %sub3A_92 = vector.broadcast %sub3A : i32 to vector<52x1664xi32>
    %sub3A_93 = arith.subi %div3A_70, %sub3A_92 : vector<52x1664xi32>
    %select_n3A = arith.select %and3A, %sub3A_93, %div3A_70 : vector<52x1664xi1>, vector<52x1664xi32>
    %iota3A_94 = tpu.iota {dimensions = array<i32: 0>} : vector<52x1664xi32>
    %eq3A = arith.cmpi eq, %select_n3A, %iota3A_94 : vector<52x1664xi32>
    %convert_element_type3A_95 = arith.extui %eq3A : vector<52x1664xi1> to vector<52x1664xi32>
    %convert_element_type3A_96 = arith.sitofp %convert_element_type3A_95 : vector<52x1664xi32> to vector<52x1664xf32>
    %iota3A_97 = tpu.iota {dimensions = array<i32: 0>} : vector<1664x52xi32>
    %jit3A_98 = arith.constant 32 : i32
    %div3A_99 = vector.broadcast %jit3A_98 : i32 to vector<1664x52xi32>
    %div3A_100 = arith.divsi %iota3A_97, %div3A_99 : vector<1664x52xi32>
    %sign3A_101 = arith.constant 0 : i32
    %sign3A_102 = vector.broadcast %sign3A_101 : i32 to vector<1664x52xi32>
    %sign3A_103 = arith.cmpi sgt, %iota3A_97, %sign3A_102 : vector<1664x52xi32>
    %sign3A_104 = arith.extui %sign3A_103 : vector<1664x52xi1> to vector<1664x52xi32>
    %sign3A_105 = arith.constant 0 : i32
    %sign3A_106 = vector.broadcast %sign3A_105 : i32 to vector<1664x52xi32>
    %sign3A_107 = arith.cmpi slt, %iota3A_97, %sign3A_106 : vector<1664x52xi32>
    %sign3A_108 = arith.extui %sign3A_107 : vector<1664x52xi1> to vector<1664x52xi32>
    %sign3A_109 = arith.subi %sign3A_104, %sign3A_108 : vector<1664x52xi32>
    %sign3A_110 = arith.constant 0 : i32
    %sign3A_111 = arith.cmpi sgt, %jit3A_98, %sign3A_110 : i32
    %sign3A_112 = arith.extui %sign3A_111 : i1 to i32
    %sign3A_113 = arith.constant 0 : i32
    %sign3A_114 = arith.cmpi slt, %jit3A_98, %sign3A_113 : i32
    %sign3A_115 = arith.extui %sign3A_114 : i1 to i32
    %sign3A_116 = arith.subi %sign3A_112, %sign3A_115 : i32
    %ne3A_117 = vector.broadcast %sign3A_116 : i32 to vector<1664x52xi32>
    %ne3A_118 = arith.cmpi ne, %sign3A_109, %ne3A_117 : vector<1664x52xi32>
    %rem3A_119 = vector.broadcast %jit3A_98 : i32 to vector<1664x52xi32>
    %rem3A_120 = arith.remsi %iota3A_97, %rem3A_119 : vector<1664x52xi32>
    %ne3A_121 = arith.constant 0 : i32
    %ne3A_122 = vector.broadcast %ne3A_121 : i32 to vector<1664x52xi32>
    %ne3A_123 = arith.cmpi ne, %rem3A_120, %ne3A_122 : vector<1664x52xi32>
    %and3A_124 = arith.andi %ne3A_118, %ne3A_123 : vector<1664x52xi1>
    %sub3A_125 = arith.constant 1 : i32
    %sub3A_126 = vector.broadcast %sub3A_125 : i32 to vector<1664x52xi32>
    %sub3A_127 = arith.subi %div3A_100, %sub3A_126 : vector<1664x52xi32>
    %select_n3A_128 = arith.select %and3A_124, %sub3A_127, %div3A_100 : vector<1664x52xi1>, vector<1664x52xi32>
    %iota3A_129 = tpu.iota {dimensions = array<i32: 1>} : vector<1664x52xi32>
    %eq3A_130 = arith.cmpi eq, %select_n3A_128, %iota3A_129 : vector<1664x52xi32>
    %convert_element_type3A_131 = arith.extui %eq3A_130 : vector<1664x52xi1> to vector<1664x52xi32>
    %convert_element_type3A_132 = arith.sitofp %convert_element_type3A_131 : vector<1664x52xi32> to vector<1664x52xf32>
    %iota3A_133 = tpu.iota {dimensions = array<i32: 0>} : vector<1664x32xi32>
    %jit3A_134 = arith.constant 32 : i32
    %eq3A_135 = arith.constant 0 : i32
    %eq3A_136 = arith.cmpi eq, %jit3A_134, %eq3A_135 : i32
    %jit3A_137 = arith.constant 1 : i32
    %select_n3A_138 = arith.select %eq3A_136, %jit3A_137, %jit3A_134 : i32
    %rem3A_139 = vector.broadcast %select_n3A_138 : i32 to vector<1664x32xi32>
    %rem3A_140 = arith.remsi %iota3A_133, %rem3A_139 : vector<1664x32xi32>
    %ne3A_141 = arith.constant 0 : i32
    %ne3A_142 = vector.broadcast %ne3A_141 : i32 to vector<1664x32xi32>
    %ne3A_143 = arith.cmpi ne, %rem3A_140, %ne3A_142 : vector<1664x32xi32>
    %lt3A = arith.constant 0 : i32
    %lt3A_144 = vector.broadcast %lt3A : i32 to vector<1664x32xi32>
    %lt3A_145 = arith.cmpi slt, %rem3A_140, %lt3A_144 : vector<1664x32xi32>
    %lt3A_146 = arith.constant 0 : i32
    %lt3A_147 = arith.cmpi slt, %select_n3A_138, %lt3A_146 : i32
    %ne3A_148 = vector.broadcast %lt3A_147 : i1 to vector<1664x32xi1>
    %ne3A_149 = vector.broadcast %ne3A_148 : vector<1664x32xi1> to vector<1664x32xi1>
    %ne3A_150 = arith.xori %lt3A_145, %ne3A_149 : vector<1664x32xi1>
    %and3A_151 = arith.andi %ne3A_150, %ne3A_143 : vector<1664x32xi1>
    %add3A = vector.broadcast %select_n3A_138 : i32 to vector<1664x32xi32>
    %add3A_152 = arith.addi %rem3A_140, %add3A : vector<1664x32xi32>
    %select_n3A_153 = arith.select %and3A_151, %add3A_152, %rem3A_140 : vector<1664x32xi1>, vector<1664x32xi32>
    %iota3A_154 = tpu.iota {dimensions = array<i32: 1>} : vector<1664x32xi32>
    %eq3A_155 = arith.cmpi eq, %select_n3A_153, %iota3A_154 : vector<1664x32xi32>
    %convert_element_type3A_156 = arith.extui %eq3A_155 : vector<1664x32xi1> to vector<1664x32xi32>
    %convert_element_type3A_157 = arith.sitofp %convert_element_type3A_156 : vector<1664x32xi32> to vector<1664x32xf32>
    %iota3A_158 = tpu.iota {dimensions = array<i32: 1>} : vector<32x1664xi32>
    %jit3A_159 = arith.constant 32 : i32
    %eq3A_160 = arith.constant 0 : i32
    %eq3A_161 = arith.cmpi eq, %jit3A_159, %eq3A_160 : i32
    %jit3A_162 = arith.constant 1 : i32
    %select_n3A_163 = arith.select %eq3A_161, %jit3A_162, %jit3A_159 : i32
    %rem3A_164 = vector.broadcast %select_n3A_163 : i32 to vector<32x1664xi32>
    %rem3A_165 = arith.remsi %iota3A_158, %rem3A_164 : vector<32x1664xi32>
    %ne3A_166 = arith.constant 0 : i32
    %ne3A_167 = vector.broadcast %ne3A_166 : i32 to vector<32x1664xi32>
    %ne3A_168 = arith.cmpi ne, %rem3A_165, %ne3A_167 : vector<32x1664xi32>
    %lt3A_169 = arith.constant 0 : i32
    %lt3A_170 = vector.broadcast %lt3A_169 : i32 to vector<32x1664xi32>
    %lt3A_171 = arith.cmpi slt, %rem3A_165, %lt3A_170 : vector<32x1664xi32>
    %lt3A_172 = arith.constant 0 : i32
    %lt3A_173 = arith.cmpi slt, %select_n3A_163, %lt3A_172 : i32
    %ne3A_174 = vector.broadcast %lt3A_173 : i1 to vector<32x1664xi1>
    %ne3A_175 = vector.broadcast %ne3A_174 : vector<32x1664xi1> to vector<32x1664xi1>
    %ne3A_176 = arith.xori %lt3A_171, %ne3A_175 : vector<32x1664xi1>
    %and3A_177 = arith.andi %ne3A_176, %ne3A_168 : vector<32x1664xi1>
    %add3A_178 = vector.broadcast %select_n3A_163 : i32 to vector<32x1664xi32>
    %add3A_179 = arith.addi %rem3A_165, %add3A_178 : vector<32x1664xi32>
    %select_n3A_180 = arith.select %and3A_177, %add3A_179, %rem3A_165 : vector<32x1664xi1>, vector<32x1664xi32>
    %iota3A_181 = tpu.iota {dimensions = array<i32: 0>} : vector<32x1664xi32>
    %eq3A_182 = arith.cmpi eq, %select_n3A_180, %iota3A_181 : vector<32x1664xi32>
    %convert_element_type3A_183 = arith.extui %eq3A_182 : vector<32x1664xi1> to vector<32x1664xi32>
    %convert_element_type3A_184 = arith.sitofp %convert_element_type3A_183 : vector<32x1664xi32> to vector<32x1664xf32>
    %dot_general3A = arith.constant dense<0.000000e+00> : vector<256x1664xf32>
    %dot_general3A_185 = tpu.matmul %convert_element_type3A_4, %convert_element_type3A_96, %dot_general3A {dimension_numbers = #tpu.dot_dimension_numbers<[1], [0], [0], [1], [0, 0, 1, 1], [], []>, transpose_lhs_hint = false} : vector<256x52xf32>, vector<52x1664xf32>, vector<256x1664xf32> -> vector<256x1664xf32>
    %mul3A = arith.mulf %concatenate3A, %dot_general3A_185 : vector<256x1664xf32>
    %dot_general3A_186 = arith.constant dense<0.000000e+00> : vector<256x32xf32>
    %dot_general3A_187 = tpu.matmul %mul3A, %convert_element_type3A_157, %dot_general3A_186 {dimension_numbers = #tpu.dot_dimension_numbers<[1], [0], [0], [1], [0, 0, 1, 1], [], []>, transpose_lhs_hint = false} : vector<256x1664xf32>, vector<1664x32xf32>, vector<256x32xf32> -> vector<256x32xf32>
    %reduce_sum3A = arith.constant dense<0.000000e+00> : vector<256xf32>
    %reduce_sum3A_188 = vector.multi_reduction <add>, %convert_element_type3A_4, %reduce_sum3A [1] : vector<256x52xf32> to vector<256xf32>
    %broadcast_in_dim3A = vector.shape_cast %reduce_sum3A_188 : vector<256xf32> to vector<256x1xf32>
    %max3A = arith.constant 1.000000e+00 : f32
    %max3A_189 = vector.broadcast %max3A : f32 to vector<256x1xf32>
    %max3A_190 = arith.maximumf %broadcast_in_dim3A, %max3A_189 : vector<256x1xf32>
    %div3A_191 = vector.broadcast %max3A_190 : vector<256x1xf32> to vector<256x32xf32>
    %div3A_192 = arith.divf %dot_general3A_187, %div3A_191 : vector<256x32xf32>
    %get3A_193 = arith.constant 0 : index
    %get3A_194 = arith.constant 0 : index
    %get3A_195 = vector.load %arg5[%get3A_193, %get3A_194] : memref<32x32xf32, #tpu.memory_space<vmem>>, vector<32x32xf32>
    %dot_general3A_196 = arith.constant dense<0.000000e+00> : vector<256x32xf32>
    %dot_general3A_197 = tpu.matmul %div3A_192, %get3A_195, %dot_general3A_196 {dimension_numbers = #tpu.dot_dimension_numbers<[1], [0], [0], [1], [0, 0, 1, 1], [], []>, transpose_lhs_hint = false} : vector<256x32xf32>, vector<32x32xf32>, vector<256x32xf32> -> vector<256x32xf32>
    %get3A_198 = arith.constant 0 : index
    %get3A_199 = arith.constant 0 : index
    %get3A_200 = vector.load %arg6[%get3A_198, %get3A_199] : memref<1x32xf32, #tpu.memory_space<vmem>>, vector<1x32xf32>
    %add3A_201 = vector.broadcast %get3A_200 : vector<1x32xf32> to vector<256x32xf32>
    %add3A_202 = arith.addf %dot_general3A_197, %add3A_201 : vector<256x32xf32>
    %get3A_203 = arith.constant 0 : index
    %get3A_204 = arith.constant 0 : index
    %get3A_205 = vector.load %arg7[%get3A_203, %get3A_204] : memref<32x32xf32, #tpu.memory_space<vmem>>, vector<32x32xf32>
    %dot_general3A_206 = arith.constant dense<0.000000e+00> : vector<256x32xf32>
    %dot_general3A_207 = tpu.matmul %add3A_202, %get3A_205, %dot_general3A_206 {dimension_numbers = #tpu.dot_dimension_numbers<[1], [0], [0], [1], [0, 0, 1, 1], [], []>, transpose_lhs_hint = false} : vector<256x32xf32>, vector<32x32xf32>, vector<256x32xf32> -> vector<256x32xf32>
    %get3A_208 = arith.constant 0 : index
    %get3A_209 = arith.constant 0 : index
    %get3A_210 = vector.load %arg8[%get3A_208, %get3A_209] : memref<1x32xf32, #tpu.memory_space<vmem>>, vector<1x32xf32>
    %mul3A_211 = vector.broadcast %get3A_210 : vector<1x32xf32> to vector<256x32xf32>
    %mul3A_212 = arith.mulf %add3A_202, %mul3A_211 : vector<256x32xf32>
    %reduce_sum3A_213 = arith.constant dense<0.000000e+00> : vector<256xf32>
    %reduce_sum3A_214 = vector.multi_reduction <add>, %mul3A_212, %reduce_sum3A_213 [1] : vector<256x32xf32> to vector<256xf32>
    %broadcast_in_dim3A_215 = vector.shape_cast %reduce_sum3A_214 : vector<256xf32> to vector<256x1xf32>
    %dot_general3A_216 = arith.constant dense<0.000000e+00> : vector<256x1664xf32>
    %dot_general3A_217 = tpu.matmul %dot_general3A_207, %convert_element_type3A_184, %dot_general3A_216 {dimension_numbers = #tpu.dot_dimension_numbers<[1], [0], [0], [1], [0, 0, 1, 1], [], []>, transpose_lhs_hint = false} : vector<256x32xf32>, vector<32x1664xf32>, vector<256x1664xf32> -> vector<256x1664xf32>
    %mul3A_218 = arith.mulf %concatenate3A, %dot_general3A_217 : vector<256x1664xf32>
    %dot_general3A_219 = arith.constant dense<0.000000e+00> : vector<256x52xf32>
    %dot_general3A_220 = tpu.matmul %mul3A_218, %convert_element_type3A_132, %dot_general3A_219 {dimension_numbers = #tpu.dot_dimension_numbers<[1], [0], [0], [1], [0, 0, 1, 1], [], []>, transpose_lhs_hint = false} : vector<256x1664xf32>, vector<1664x52xf32>, vector<256x52xf32> -> vector<256x52xf32>
    %add3A_221 = vector.broadcast %broadcast_in_dim3A_215 : vector<256x1xf32> to vector<256x52xf32>
    %add3A_222 = arith.addf %dot_general3A_220, %add3A_221 : vector<256x52xf32>
    %jit3A_223 = arith.constant -1.000000e+09 : f32
    %broadcast_in_dim3A_224 = vector.broadcast %jit3A_223 : f32 to vector<256x52xf32>
    %select_n3A_225 = arith.select %ne3A_3, %add3A_222, %broadcast_in_dim3A_224 : vector<256x52xi1>, vector<256x52xf32>
    %reduce_max3A = arith.constant dense<0xFF800000> : vector<256xf32>
    %reduce_max3A_226 = vector.multi_reduction <maximumf>, %select_n3A_225, %reduce_max3A [1] : vector<256x52xf32> to vector<256xf32>
    %broadcast_in_dim3A_227 = vector.shape_cast %reduce_max3A_226 : vector<256xf32> to vector<256x1xf32>
    %sub3A_228 = vector.broadcast %broadcast_in_dim3A_227 : vector<256x1xf32> to vector<256x52xf32>
    %sub3A_229 = arith.subf %select_n3A_225, %sub3A_228 : vector<256x52xf32>
    %exp3A = math.exp %sub3A_229 : vector<256x52xf32>
    %reduce_sum3A_230 = arith.constant dense<0.000000e+00> : vector<256xf32>
    %reduce_sum3A_231 = vector.multi_reduction <add>, %exp3A, %reduce_sum3A_230 [1] : vector<256x52xf32> to vector<256xf32>
    %broadcast_in_dim3A_232 = vector.shape_cast %reduce_sum3A_231 : vector<256xf32> to vector<256x1xf32>
    %div3A_233 = vector.broadcast %broadcast_in_dim3A_232 : vector<256x1xf32> to vector<256x52xf32>
    %div3A_234 = arith.divf %exp3A, %div3A_233 : vector<256x52xf32>
    %dot_general3A_235 = arith.constant dense<0.000000e+00> : vector<256x1664xf32>
    %dot_general3A_236 = tpu.matmul %div3A_234, %convert_element_type3A_96, %dot_general3A_235 {dimension_numbers = #tpu.dot_dimension_numbers<[1], [0], [0], [1], [0, 0, 1, 1], [], []>, transpose_lhs_hint = false} : vector<256x52xf32>, vector<52x1664xf32>, vector<256x1664xf32> -> vector<256x1664xf32>
    %mul3A_237 = arith.mulf %dot_general3A_236, %dot_general3A_185 : vector<256x1664xf32>
    %mul3A_238 = arith.mulf %concatenate3A, %mul3A_237 : vector<256x1664xf32>
    %dot_general3A_239 = arith.constant dense<0.000000e+00> : vector<256x32xf32>
    %dot_general3A_240 = tpu.matmul %mul3A_238, %convert_element_type3A_157, %dot_general3A_239 {dimension_numbers = #tpu.dot_dimension_numbers<[1], [0], [0], [1], [0, 0, 1, 1], [], []>, transpose_lhs_hint = false} : vector<256x1664xf32>, vector<1664x32xf32>, vector<256x32xf32> -> vector<256x32xf32>
    %get3A_241 = arith.constant 0 : index
    %get3A_242 = arith.constant 0 : index
    %get3A_243 = vector.load %arg3[%get3A_241, %get3A_242] : memref<256x32xf32, #tpu.memory_space<vmem>>, vector<256x32xf32>
    %get3A_244 = arith.constant 0 : index
    %get3A_245 = arith.constant 0 : index
    %get3A_246 = vector.load %arg4[%get3A_244, %get3A_245] : memref<256x1xi32, #tpu.memory_space<vmem>>, vector<256x1xi32>
    %ne3A_247 = arith.constant 0 : i32
    %ne3A_248 = vector.broadcast %ne3A_247 : i32 to vector<256x1xi32>
    %ne3A_249 = arith.cmpi ne, %get3A_246, %ne3A_248 : vector<256x1xi32>
    %convert_element_type3A_250 = arith.extui %ne3A_249 : vector<256x1xi1> to vector<256x1xi32>
    %convert_element_type3A_251 = arith.sitofp %convert_element_type3A_250 : vector<256x1xi32> to vector<256x1xf32>
    %mul3A_252 = vector.broadcast %convert_element_type3A_251 : vector<256x1xf32> to vector<256x32xf32>
    %mul3A_253 = arith.mulf %get3A_243, %mul3A_252 : vector<256x32xf32>
    %get3A_254 = arith.constant 0 : index
    %get3A_255 = arith.constant 0 : index
    %get3A_256 = vector.load %arg9[%get3A_254, %get3A_255] : memref<32x128xf32, #tpu.memory_space<vmem>>, vector<32x128xf32>
    %dot_general3A_257 = arith.constant dense<0.000000e+00> : vector<256x128xf32>
    %dot_general3A_258 = tpu.matmul %mul3A_253, %get3A_256, %dot_general3A_257 {dimension_numbers = #tpu.dot_dimension_numbers<[1], [0], [0], [1], [0, 0, 1, 1], [], []>, transpose_lhs_hint = false} : vector<256x32xf32>, vector<32x128xf32>, vector<256x128xf32> -> vector<256x128xf32>
    %get3A_259 = arith.constant 0 : index
    %get3A_260 = arith.constant 0 : index
    %get3A_261 = vector.load %arg10[%get3A_259, %get3A_260] : memref<32x128xf32, #tpu.memory_space<vmem>>, vector<32x128xf32>
    %dot_general3A_262 = arith.constant dense<0.000000e+00> : vector<256x128xf32>
    %dot_general3A_263 = tpu.matmul %dot_general3A_240, %get3A_261, %dot_general3A_262 {dimension_numbers = #tpu.dot_dimension_numbers<[1], [0], [0], [1], [0, 0, 1, 1], [], []>, transpose_lhs_hint = false} : vector<256x32xf32>, vector<32x128xf32>, vector<256x128xf32> -> vector<256x128xf32>
    %add3A_264 = arith.addf %dot_general3A_258, %dot_general3A_263 : vector<256x128xf32>
    %get3A_265 = arith.constant 0 : index
    %get3A_266 = arith.constant 0 : index
    %get3A_267 = vector.load %arg11[%get3A_265, %get3A_266] : memref<1x128xf32, #tpu.memory_space<vmem>>, vector<1x128xf32>
    %add3A_268 = vector.broadcast %get3A_267 : vector<1x128xf32> to vector<256x128xf32>
    %add3A_269 = arith.addf %add3A_264, %add3A_268 : vector<256x128xf32>
    %max3A_270 = arith.constant 0.000000e+00 : f32
    %max3A_271 = vector.broadcast %max3A_270 : f32 to vector<256x128xf32>
    %max3A_272 = arith.maximumf %add3A_269, %max3A_271 : vector<256x128xf32>
    %get3A_273 = arith.constant 0 : index
    %get3A_274 = arith.constant 0 : index
    %get3A_275 = vector.load %arg12[%get3A_273, %get3A_274] : memref<128x32xf32, #tpu.memory_space<vmem>>, vector<128x32xf32>
    %dot_general3A_276 = arith.constant dense<0.000000e+00> : vector<256x32xf32>
    %dot_general3A_277 = tpu.matmul %max3A_272, %get3A_275, %dot_general3A_276 {dimension_numbers = #tpu.dot_dimension_numbers<[1], [0], [0], [1], [0, 0, 1, 1], [], []>, transpose_lhs_hint = false} : vector<256x128xf32>, vector<128x32xf32>, vector<256x32xf32> -> vector<256x32xf32>
    %get3A_278 = arith.constant 0 : index
    %get3A_279 = arith.constant 0 : index
    %get3A_280 = vector.load %arg13[%get3A_278, %get3A_279] : memref<1x32xf32, #tpu.memory_space<vmem>>, vector<1x32xf32>
    %add3A_281 = vector.broadcast %get3A_280 : vector<1x32xf32> to vector<256x32xf32>
    %add3A_282 = arith.addf %dot_general3A_277, %add3A_281 : vector<256x32xf32>
    %mul3A_283 = arith.mulf %add3A_282, %add3A_282 : vector<256x32xf32>
    %reduce_sum3A_284 = arith.constant dense<0.000000e+00> : vector<256xf32>
    %reduce_sum3A_285 = vector.multi_reduction <add>, %mul3A_283, %reduce_sum3A_284 [1] : vector<256x32xf32> to vector<256xf32>
    %broadcast_in_dim3A_286 = vector.shape_cast %reduce_sum3A_285 : vector<256xf32> to vector<256x1xf32>
    %sqrt3A = math.sqrt %broadcast_in_dim3A_286 : vector<256x1xf32>
    %max3A_287 = arith.constant 9.99999996E-13 : f32
    %max3A_288 = vector.broadcast %max3A_287 : f32 to vector<256x1xf32>
    %max3A_289 = arith.maximumf %sqrt3A, %max3A_288 : vector<256x1xf32>
    %div3A_290 = vector.broadcast %max3A_289 : vector<256x1xf32> to vector<256x32xf32>
    %div3A_291 = arith.divf %add3A_282, %div3A_290 : vector<256x32xf32>
    %swap3A = arith.constant 0 : index
    %swap3A_292 = arith.constant 0 : index
    %swap3A_293 = vector.load %arg14[%swap3A, %swap3A_292] : memref<256x32xf32, #tpu.memory_space<vmem>>, vector<256x32xf32>
    tpu.vector_store %arg14[%swap3A, %swap3A_292], %div3A_291 {strides = array<i32>} : memref<256x32xf32, #tpu.memory_space<vmem>>, vector<256x32xf32>,
    return
  }
  func.func @transform_0(%arg0: i32) -> (i32, i32, i32) {
    %c0_i32 = arith.constant 0 : i32
    %c0_i32_0 = arith.constant 0 : i32
    %c0_i32_1 = arith.constant 0 : i32
    return %c0_i32, %arg0, %c0_i32_0 : i32, i32, i32
  }
  func.func @transform_1(%arg0: i32) -> (i32, i32) {
    %c0_i32 = arith.constant 0 : i32
    %c0_i32_0 = arith.constant 0 : i32
    return %arg0, %c0_i32 : i32, i32
  }
  func.func @transform_2(%arg0: i32) -> (i32, i32) {
    %c0_i32 = arith.constant 0 : i32
    %c0_i32_0 = arith.constant 0 : i32
    return %arg0, %c0_i32 : i32, i32
  }
  func.func @transform_3(%arg0: i32) -> (i32, i32) {
    %c0_i32 = arith.constant 0 : i32
    %c0_i32_0 = arith.constant 0 : i32
    return %arg0, %c0_i32 : i32, i32
  }
  func.func @transform_4(%arg0: i32) -> (i32, i32) {
    %c0_i32 = arith.constant 0 : i32
    %c0_i32_0 = arith.constant 0 : i32
    %c0_i32_1 = arith.constant 0 : i32
    return %c0_i32, %c0_i32_0 : i32, i32
  }
  func.func @transform_5(%arg0: i32) -> (i32, i32) {
    %c0_i32 = arith.constant 0 : i32
    %c0_i32_0 = arith.constant 0 : i32
    %c0_i32_1 = arith.constant 0 : i32
    return %c0_i32, %c0_i32_0 : i32, i32
  }
  func.func @transform_6(%arg0: i32) -> (i32, i32) {
    %c0_i32 = arith.constant 0 : i32
    %c0_i32_0 = arith.constant 0 : i32
    %c0_i32_1 = arith.constant 0 : i32
    return %c0_i32, %c0_i32_0 : i32, i32
  }
  func.func @transform_7(%arg0: i32) -> (i32, i32) {
    %c0_i32 = arith.constant 0 : i32
    %c0_i32_0 = arith.constant 0 : i32
    %c0_i32_1 = arith.constant 0 : i32
    return %c0_i32, %c0_i32_0 : i32, i32
  }
  func.func @transform_8(%arg0: i32) -> (i32, i32) {
    %c0_i32 = arith.constant 0 : i32
    %c0_i32_0 = arith.constant 0 : i32
    %c0_i32_1 = arith.constant 0 : i32
    return %c0_i32, %c0_i32_0 : i32, i32
  }
  func.func @transform_9(%arg0: i32) -> (i32, i32) {
    %c0_i32 = arith.constant 0 : i32
    %c0_i32_0 = arith.constant 0 : i32
    %c0_i32_1 = arith.constant 0 : i32
    return %c0_i32, %c0_i32_0 : i32, i32
  }
  func.func @transform_10(%arg0: i32) -> (i32, i32) {
    %c0_i32 = arith.constant 0 : i32
    %c0_i32_0 = arith.constant 0 : i32
    %c0_i32_1 = arith.constant 0 : i32
    return %c0_i32, %c0_i32_0 : i32, i32
  }
  func.func @transform_11(%arg0: i32) -> (i32, i32) {
    %c0_i32 = arith.constant 0 : i32
    %c0_i32_0 = arith.constant 0 : i32
    %c0_i32_1 = arith.constant 0 : i32
    return %c0_i32, %c0_i32_0 : i32, i32
  }
  func.func @transform_12(%arg0: i32) -> (i32, i32) {
    %c0_i32 = arith.constant 0 : i32
    %c0_i32_0 = arith.constant 0 : i32
    %c0_i32_1 = arith.constant 0 : i32
    return %c0_i32, %c0_i32_0 : i32, i32
  }
  func.func @transform_13(%arg0: i32) -> (i32, i32) {
    %c0_i32 = arith.constant 0 : i32
    %c0_i32_0 = arith.constant 0 : i32
    return %arg0, %c0_i32 : i32, i32
  }
}

</mosaic_0001>

<sc_bundles>
// kernel: kernel.4.cloned.1.call-start
scs
__scs_entry_jumppad:
0x0: {  	(pc) =	sbr.rel $0x88, $3  }
0x1: {  	(tag) =	ssettag $0x0;
	lr =	simm.s32 $0x1  }
0x2: {  	[smem:$0x3F95] =	sst lr;
	_ =	strace $0xD0000000  }
0x3: {  	_ = 	snop  }
0x4: {  	_ = 	snop  }
0x5: {  	_ = 	snop  }
0x6: {  	_ = 	snop  }
0x7: {  	_ = 	snop  }
__scs_overlays_trampoline_lowered:
0x8: {  	[smem:$0x3FA4] =	sst s0  }
0x9: {  	[smem:$0x3FA5] =	sst s1  }
0xa: {  	[smem:$0x3FA6] =	sst s2  }
0xb: {  	[smem:$0x3FA7] =	sst s3  }
0xc: {  	[smem:$0x3FA8] =	sst s4  }
0xd: {  	[smem:$0x3FA9] =	sst s5  }
0xe: {  	[smem:$0x3FAA] =	sst s6  }
0xf: {  	[smem:$0x3FAB] =	sst s7  }
0x10: {  	[smem:$0x3FAC] =	sst s8  }
0x11: {  	[smem:$0x3FAD] =	sst s9;
	s0 =	simm.s32 @!p0 $0x0  }
0x12: {  	s1 =	sld [smem:$0x3F93];
	s0 =	simm.s32 @p0 $0x1  }
0x13: {  	[smem:$0x3FAE] =	sst s0;
	s0 =	simm.s32 @!p1 $0x0  }
0x14: {  	s2 =	sld [smem:$0x3F92];
	s0 =	simm.s32 @p1 $0x1  }
0x15: {  	[smem:$0x3FAF] =	sst s0;
	s0 =	simm.s32 @!p2 $0x0  }
0x16: {  	s3 =	sld [smem:$0x3FDB];
	s0 =	simm.s32 @p2 $0x1  }
0x17: {  	s4 =	simm.s32 $0x1BF5;
	[smem:$0x3FB1] =	sst s0  }
0x18: {  	s0 =	sld [smem:$0x3F94];
	_ =	swait.ge [sflag:s4], $0x0  }
0x19: {  	s7 =	sld [smem:$0x3F95]  }
0x1a: {  	s8 =	sadd.s32 $0xFFFFE003, lr  }
0x1b: {  	s9 =	sadd.s32 $0xFFFFFEF7, lr;
	s5 =	simm.s32 $0xFFFFFFFF;
	p2 =	slt.u32 s8, $0xFFFFF086  }
0x1c: {  	p1 =	slt.u32 s9, $0xF7A;
	s5 =	simm.s32 @!p2 $0x0  }
0x1d: {  	s5 =	simm.s32 @p1 $0x1;
	p0 =	seq.s32 s7, s2  }
0x1e: {  	s7 =	smul.u32 @!p0 $0xF7A, s2;
	p2 =	seq.s32 @!p0 s5, $0x0  }
0x1f: {  	s9 =	smul.u32 $0xF7A, s1;
	s8 =	simm.s32 @!p0 $0x1BF5;
	p2 =	por !p2, p0  }
0x20: {  	[sflag:s8] =	ssyncset.s32 @!p0 $0xFFFFF086;
	s6 =	sadd.s32 @!p0 s3, s7;
	s7 =	simm.s32 @!p0 $0x108  }
0x21: {  	s3 =	sadd.s32 s3, s9;
	s6 =	sadd.s32 @!p0 $0x88, s6;
	s7 =	simm.s32 @p2 $0x1082  }
0x22: {  	[simem:s7], [sflag:s8] =	dma.local @!p0 [hbm:s6], $0xF7A  }
0x23: {  	s9 =	sor.u32 $0xD0000000, s2;
	s6 =	simm.s32 $0x108;
	_ =	swait.ge @!p0 [sflag:s8], $0x0  }
0x24: {  	s3 =	sadd.s32 $0x88, s3;
	s6 =	simm.s32 @!p1 $0x1082;
	[sflag:s4] =	ssyncset.s32 $0xFFFFF086  }
0x25: {  	[simem:s6], [sflag:s4] =	dma.local [hbm:s3], $0xF7A  }
0x26: {  	[smem:$0x3F95] =	sst s1;
	(tag) =	ssettag s2;
	_ =	strace s9  }
0x27: {  	s1 =	sld [smem:$0x3FA5]  }
0x28: {  	s2 =	sld [smem:$0x3FA6]  }
0x29: {  	s4 =	sld [smem:$0x3FA8]  }
0x2a: {  	p0 =	seq.s32 s5, $0x0;
	s5 =	sld [smem:$0x3FA9]  }
0x2b: {  	s6 =	sld [smem:$0x3FAA]  }
0x2c: {  	s7 =	sld [smem:$0x3FAB]  }
0x2d: {  	s3 =	simm.s32 $0x108;
	s8 =	sld [smem:$0x3FAC]  }
0x2e: {  	s3 =	simm.s32 @!p0 $0x1082;
	s9 =	sld [smem:$0x3FAD]  }
0x2f: {  	lr =	sadd.s32 s0, s3;
	s0 =	sld [smem:$0x3FA4]  }
0x30: {  	s3 =	sld [smem:$0x3FA7]  }
0x31: {  	[smem:$0x3FB0] =	sst s10  }
0x32: {  	s10 =	sld [smem:$0x3FAE];
	_ =	sdelay $0x3  }
0x33: {  	p0 =	seq.s32 s10, $0x1;
	s10 =	sld [smem:$0x3FB0];
	_ =	sdelay $0x3  }
0x34: {  	[smem:$0x3FB0] =	sst s10  }
0x35: {  	s10 =	sld [smem:$0x3FAF];
	_ =	sdelay $0x3  }
0x36: {  	p1 =	seq.s32 s10, $0x1;
	s10 =	sld [smem:$0x3FB0];
	_ =	sdelay $0x3  }
0x37: {  	[smem:$0x3FB0] =	sst s10  }
0x38: {  	s10 =	sld [smem:$0x3FB1]  }
0x39: {  	_ = 	snop;
	(pc) =	sbr.ind lr, $3  }
0x3a: {  	_ = 	snop  }
0x3b: {  	_ = 	snop  }
0x3c: {  	p2 =	seq.s32 s10, $0x1;
	s10 =	sld [smem:$0x3FB0]  }
0x3d: {  	_ =	shalt  }
0x3e: {  	_ =	shalt  }
0x3f: {  	_ =	shalt  }
0x40: {  	_ =	shalt  }
0x41: {  	_ =	shalt  }
0x42: {  	_ =	shalt  }
0x43: {  	_ =	shalt  }
0x44: {  	_ =	shalt  }
0x45: {  	_ =	shalt  }
0x46: {  	_ =	shalt  }
0x47: {  	_ =	shalt  }
0x48: {  	_ =	shalt  }
0x49: {  	_ =	shalt  }
0x4a: {  	_ =	shalt  }
0x4b: {  	_ =	shalt  }
0x4c: {  	_ =	shalt  }
0x4d: {  	_ =	shalt  }
0x4e: {  	_ =	shalt  }
0x4f: {  	_ =	shalt  }
0x50: {  	_ =	shalt  }
0x51: {  	_ =	shalt  }
0x52: {  	_ =	shalt  }
0x53: {  	_ =	shalt  }
0x54: {  	_ =	shalt  }
0x55: {  	_ =	shalt  }
0x56: {  	_ =	shalt  }
0x57: {  	_ =	shalt  }
0x58: {  	_ =	shalt  }
0x59: {  	_ =	shalt  }
0x5a: {  	_ =	shalt  }
0x5b: {  	_ =	shalt  }
0x5c: {  	_ =	shalt  }
0x5d: {  	_ =	shalt  }
0x5e: {  	_ =	shalt  }
0x5f: {  	_ =	shalt  }
0x60: {  	_ =	shalt  }
0x61: {  	_ =	shalt  }
0x62: {  	_ =	shalt  }
0x63: {  	_ =	shalt  }
0x64: {  	_ =	shalt  }
0x65: {  	_ =	shalt  }
0x66: {  	_ =	shalt  }
0x67: {  	_ =	shalt  }
0x68: {  	_ =	shalt  }
0x69: {  	_ =	shalt  }
0x6a: {  	_ =	shalt  }
0x6b: {  	_ =	shalt  }
0x6c: {  	_ =	shalt  }
0x6d: {  	_ =	shalt  }
0x6e: {  	_ =	shalt  }
0x6f: {  	_ =	shalt  }
0x70: {  	_ =	shalt  }
0x71: {  	_ =	shalt  }
0x72: {  	_ =	shalt  }
0x73: {  	_ =	shalt  }
0x74: {  	_ =	shalt  }
0x75: {  	_ =	shalt  }
0x76: {  	_ =	shalt  }
0x77: {  	_ =	shalt  }
0x78: {  	_ =	shalt  }
0x79: {  	_ =	shalt  }
0x7a: {  	_ =	shalt  }
0x7b: {  	_ =	shalt  }
0x7c: {  	_ =	shalt  }
0x7d: {  	_ =	shalt  }
0x7e: {  	_ =	shalt  }
0x7f: {  	_ =	shalt  }
0x80: {  	_ =	shalt  }
0x81: {  	_ =	shalt  }
0x82: {  	_ =	shalt  }
0x83: {  	_ =	shalt  }
0x84: {  	_ =	shalt  }
0x85: {  	_ =	shalt  }
0x86: {  	_ =	shalt  }
0x87: {  	_ =	shalt  }
.Lfunc_end0:
.L_simem_size_0:
called_computation_lowered:
.L_overlay_start_0:
0x88: {  	s2 =	sld [smem:$0x3FD9]  }
0x89: {  	s3 =	sld [smem:$0x3FFE];
	_ =	sdelay $0x1  }
0x8a: {  	s1 =	srdreg.scid  }
0x8b: {  	s0 =	sand.u32 $0x1, s1  }
0x8c: {  	s17 =	sshll.u32 s0, $0xA;
	s2 =	sadd.s32 s3, s2  }
0x8d: {  	s2 =	sadd.s32 s2, s17  }
0x8e: {  	[smem:$0x3FBC] =	sst s2  }
0x8f: {  	_ = 	snop  }
0x90: {  	s2 =	sld [smem:$0x3FBF]  }
0x91: {  	s18 =	sld [smem:$0x3FD0];
	(tm) =	ssettm $0x1  }
0x92: {  	s4 =	sld [smem:$0x3FFB];
	_ =	sdelay $0x3  }
0x93: {  	_ =	strace s4  }
0x94: {  	s4 =	sld [smem:$0x3FFC];
	_ =	sdelay $0x3  }
0x95: {  	_ =	strace s4  }
0x96: {  	s4 =	sld [smem:$0x3FFD];
	_ =	sdelay $0x3  }
0x97: {  	_ =	strace s4  }
0x98: {  	_ =	strace $0x8FFFFFFF  }
0x99: {  	s19 =	sld [smem:$0x3FDB];
	_ =	sdelay $0x1  }
0x9a: {  	s5 =	simm.s32 $_scs_section_size  }
0x9b: {  	s6 =	simm.s32 $_size__tile_overlayer_lowered;
	s7 =	simm.s32 $_tile_overlayer_lowered  }
0x9c: {  	s22 =	simm.s32 $0x1BFF;
	s21 =	sshll.u32 s7, $0x1;
	s4 =	sadd.s32 s5, s19  }
0x9d: {  	s8 =	simm.s32 $0x0;
	s20 =	sshll.u32 s6, $0x1;
	s6 =	sadd.s32 s21, s4  }
0x9e: {  	[timem:s8], [sflag:s22] =	dma.local [hbm:s6], s20  }
0x9f: {  	_ =	swait.ge [sflag:s22], s20  }
0xa0: {  	s5 =	ssub.s32 $0x0, s20;
	[sflag:s22] =	ssyncset.done $0x0  }
0xa1: {  	[sflag:s22] =	ssyncadd.s32 s5;
	_ =	sdelay $0x1  }
0xa2: {  	s23 =	simm.s32 $0x1B8B  }
0xa3: {  	_ =	swait.ge [sflag:s23], $0x1  }
0xa4: {  	[sflag:s23] =	ssyncset.done $0x0  }
0xa5: {  	s25 =	simm.s32 $0x1B8E;
	s24 =	sld [smem:$0x3FFE];
	[sflag:s23] =	ssyncadd.s32 $0xFFFFFFFF  }
0xa6: {  	s26 =	simm.s32 $execute0_lowered;
	[smem:$0x3FD2] =	sst s25  }
0xa7: {  	s6 =	sshll.u32 s26, $0x1;
	_ =	strace $0x80000046;
	[dreg:$0x1] =	wrdreg $0xFFFFFFFF  }
0xa8: {  	s28 =	simm.s32 $_size_execute0_lowered;
	s4 =	sadd.s32 s4, s6;
	[dreg:$0x0] =	wrdreg $0x0  }
0xa9: {  	s6 =	sshll.u32 s28, $0x1;
	[dreg:$0x2] =	wrdreg s4  }
0xaa: {  	[dreg:$0x3] =	wrdreg s6  }
0xab: {  	[dreg:$0x4] =	wrdreg $0xC0  }
0xac: {  	_ =	task [dreg:s8], $0x5FFFF  }
0xad: {  	[dreg:$0x1] =	wrdreg $0xFFFFFFFF  }
0xae: {  	[dreg:$0x0] =	wrdreg $0x60  }
0xaf: {  	[dreg:$0x2] =	wrdreg s24  }
0xb0: {  	[dreg:$0x3] =	wrdreg s2  }
0xb1: {  	[dreg:$0x4] =	wrdreg s18  }
0xb2: {  	[dreg:$0x5] =	wrdreg $0x9  }
0xb3: {  	_ =	task.clear_ibuf [dreg:s8], $0x6FFFF;
	_ =	strace $0x90000046  }
0xb4: {  	s29 =	simm.s32 $0x9;
	_ =	strace $0x80000048  }
0xb5: {  	_ =	swait.ge [sflag:s29], $0x1  }
0xb6: {  	[sflag:s29] =	ssyncadd.s32 $0xFFFFFFFF  }
0xb7: {  	_ =	strace $0x90000048  }
0xb8: {  	_ =	sfence  }
0xb9: {  	s30 =	sld [smem:$0x0];
	_ =	sdelay $0x2  }
0xba: {  	s31 =	sshll.u32 s1, $0xD;
	s1 =	sshrl.u32 s1, $0x2  }
0xbb: {  	s3 =	sand.u32 $0x4000, s31;
	s1 =	sadd.s32 s1, s30  }
0xbc: {  	s0 =	sor.u32 s3, s0;
	s1 =	sshll.u32 s1, $0x11  }
0xbd: {  	s0 =	sor.u32 s1, s0  }
0xbe: {  	s0 =	sadd.s32 $0x8F2B, s0  }
0xbf: {  	[sflag:s0] =	ssyncadd.remote.s32 $0x1  }
0xc0: {  	_ =	sfence.sel $0xFFFF  }
0xc1: {  	[dreg:$0x0] =	wrdreg $0xFFFFFFFF;
	(pc) =	sbr.abs _section_cstart, $3  }
0xc2: {  	[dreg:$0x1] =	wrdreg $0xFFFFFFFF  }
0xc3: {  	_ =	task.clear_ibuf [dreg:s8], $0x2FFFF;
	_ =	strace $0x9FFFFFFF  }
0xc4: {  	(tm) =	ssettm $0x7FFFFFFF  }
0xc5: {  	_ =	shalt  }
tec
execute0_lowered:
.L_overlay_start_1:
0x0: {  	(tag) =	ssettag $0x1  }
0x1: {  	s0 =	rddreg [dreg:$0x0]  }
0x2: {  	s5 =	rddreg [dreg:$0x1]  }
0x3: {  	s6 =	rddreg [dreg:$0x2];
	s2 =	simm.s32 $0x0;
	s1 =	stileid.u32  }
0x4: {  	s8 =	srdreg.scid;
	s20 =	simm.s32 $0x200;
	s21 =	simm.s32 $0x280  }
0x5: {  	s22 =	simm.s32 $0x300;
	s23 =	simm.s32 $0x380;
	s24 =	simm.s32 $0x400  }
0x6: {  	s25 =	simm.s32 $0x480;
	s26 =	simm.s32 $0x500;
	s30 =	simm.s32 $0x580  }
0x7: {  	s31 =	simm.s32 $0x600;
	s28 =	simm.s32 $0x2;
	[smem:$0x7FF] =	sst s2  }
0x8: {  	s29 =	simm.s32 $0x0;
	_ =	strace $0x80000047;
	[dreg:$0x5] =	wrdreg s20  }
0x9: {  	s7 =	smul.u32 $0x1A00, s1;
	s3 =	sadd.s32 $0xF44C00, s0;
	[dreg:$0x6] =	wrdreg s21  }
0xa: {  	s4 =	sadd.s32 $0x1315600, s0;
	s13 =	sand.u32 $0x1, s8;
	[dreg:$0x7] =	wrdreg s22  }
0xb: {  	s14 =	sshll.u32 s1, $0xE;
	s11 =	sshll.u32 s1, $0x1;
	[dreg:$0x8] =	wrdreg s23  }
0xc: {  	s10 =	ssub.s32 $0x2, s13;
	s11 =	sor.u32 s13, s11;
	[dreg:$0x9] =	wrdreg s24  }
0xd: {  	s12 =	sshll.u32 s13, $0xD;
	s17 =	smul.u32 $0xD00, s13;
	[dreg:$0xa] =	wrdreg s25  }
0xe: {  	s13 =	simm.s32 $0x100;
	s20 =	simm.s32 $0x7680;
	[dreg:$0xb] =	wrdreg s26  }
0xf: {  	s21 =	simm.s32 $0x8680;
	s22 =	simm.s32 $0x9680;
	[dreg:$0xc] =	wrdreg s30  }
0x10: {  	s23 =	simm.s32 $0xA680;
	s24 =	simm.s32 $0xB680;
	[dreg:$0xd] =	wrdreg s31  }
0x11: {  	s25 =	simm.s32 $0xC680;
	s26 =	simm.s32 $0x1;
	s9 =	sadd.s32 s7, s0  }
0x12: {  	s0 =	sadd.s32 s14, s0;
	s15 =	sshrl.u32 s10, $0x1;
	s16 =	sshll.u32 s11, $0x6  }
0x13: {  	s11 =	sshll.u32 s11, $0xB;
	s14 =	simm.s32 $0x2680;
	s8 =	ssub.s32 s10, s15  }
0x14: {  	s0 =	sadd.s32 s12, s0;
	s18 =	sadd.s32 s5, s16;
	s6 =	sadd.s32 s6, s11  }
0x15: {  	s19 =	sadd.s32 s17, s9;
	s9 =	simm.s32 $0x3;
	s10 =	simm.s32 $0x80  }
0x16: {  	s11 =	simm.s32 $0x680;
	s12 =	simm.s32 $0x1680;
	s15 =	simm.s32 $0x180  }
0x17: {  	s16 =	simm.s32 $0x3680;
	s17 =	simm.s32 $0x4680;
	[dreg:$0xe] =	wrdreg s18  }
0x18: {  	s0 =	sadd.s32 $0x42800, s0;
	s7 =	smax.u32 s8, $0x1;
	s8 =	sadd.s32 $0x382800, s19  }
0x19: {  	s18 =	simm.s32 $0x5680;
	s19 =	simm.s32 $0x6680;
	[dreg:$0x4] =	wrdreg s0  }
.LBB2_1:
0x1a: {  	[tilespmem:s2], [sflag:$0x3] =	stream.linear.gather [hbm4b:s8+s2], $0x680, $0x38;
	[tilespmem:$0xD680] =	vst v63  }
0x1b: {  	_ =	swait.ge [sflag:s9], $0x680  }
0x1c: {  	[sflag:s9] =	ssyncset.done $0x0  }
0x1d: {  	[sflag:s9] =	ssyncadd.s32 $0xFFFFF980  }
0x1e: {  	[tilespmem:s11], [sflag:$0x1] =	stream.indirect.gather [hbm4b:s3+s10], $0x20, s2, s10, $0xb8;
	[tilespmem:$0xD680] =	vst v63  }
0x1f: {  	_ = 	snop  }
0x20: {  	[tilespmem:s12], [sflag:$0x1] =	stream.indirect.gather [hbm4b:s3+s10], $0x20, s10, s10, $0xb8;
	[tilespmem:$0xD680] =	vst v63  }
0x21: {  	_ = 	snop  }
0x22: {  	[tilespmem:s14], [sflag:$0x1] =	stream.indirect.gather [hbm4b:s3+s10], $0x20, s13, s10, $0xb8;
	[tilespmem:$0xD680] =	vst v63  }
0x23: {  	_ = 	snop  }
0x24: {  	[tilespmem:s16], [sflag:$0x1] =	stream.indirect.gather [hbm4b:s3+s10], $0x20, s15, s10, $0xb8;
	[tilespmem:$0xD680] =	vst v63  }
0x25: {  	s0 =	rddreg [dreg:$0x5]  }
0x26: {  	[tilespmem:s17], [sflag:$0x1] =	stream.indirect.gather [hbm4b:s3+s10], $0x20, s0, s10, $0xb8;
	[tilespmem:$0xD680] =	vst v63  }
0x27: {  	s30 =	rddreg [dreg:$0x6]  }
0x28: {  	[tilespmem:s18], [sflag:$0x1] =	stream.indirect.gather [hbm4b:s3+s10], $0x20, s30, s10, $0xb8;
	[tilespmem:$0xD680] =	vst v63  }
0x29: {  	s5 =	rddreg [dreg:$0x7]  }
0x2a: {  	[tilespmem:s19], [sflag:$0x1] =	stream.indirect.gather [hbm4b:s3+s10], $0x20, s5, s10, $0xb8;
	[tilespmem:$0xD680] =	vst v63  }
0x2b: {  	s30 =	rddreg [dreg:$0x8]  }
0x2c: {  	[tilespmem:s20], [sflag:$0x1] =	stream.indirect.gather [hbm4b:s3+s10], $0x20, s30, s10, $0xb8;
	[tilespmem:$0xD680] =	vst v63  }
0x2d: {  	s1 =	rddreg [dreg:$0x9]  }
0x2e: {  	[tilespmem:s21], [sflag:$0x1] =	stream.indirect.gather [hbm4b:s3+s10], $0x20, s1, s10, $0xb8;
	[tilespmem:$0xD680] =	vst v63  }
0x2f: {  	s30 =	rddreg [dreg:$0xa]  }
0x30: {  	[tilespmem:s22], [sflag:$0x1] =	stream.indirect.gather [hbm4b:s3+s10], $0x20, s30, s10, $0xb8;
	[tilespmem:$0xD680] =	vst v63  }
0x31: {  	s5 =	rddreg [dreg:$0xb]  }
0x32: {  	[tilespmem:s23], [sflag:$0x1] =	stream.indirect.gather [hbm4b:s3+s10], $0x20, s5, s10, $0xb8;
	[tilespmem:$0xD680] =	vst v63  }
0x33: {  	s30 =	rddreg [dreg:$0xc]  }
0x34: {  	[tilespmem:s24], [sflag:$0x1] =	stream.indirect.gather [hbm4b:s3+s10], $0x20, s30, s10, $0xb8;
	[tilespmem:$0xD680] =	vst v63  }
0x35: {  	s1 =	rddreg [dreg:$0xd]  }
0x36: {  	[tilespmem:s25], [sflag:$0x1] =	stream.indirect.gather [hbm4b:s3+s10], $0x20, s1, s10, $0xb8;
	[tilespmem:$0xD680] =	vst v63  }
0x37: {  	_ =	swait.ge [sflag:s26], $0x1000  }
0x38: {  	[sflag:s26] =	ssyncset.done $0x0  }
0x39: {  	[sflag:s26] =	ssyncadd.s32 $0xFFFFF000  }
0x3a: {  	_ =	swait.ge [sflag:s26], $0x1000  }
0x3b: {  	[sflag:s26] =	ssyncset.done $0x0  }
0x3c: {  	[sflag:s26] =	ssyncadd.s32 $0xFFFFF000  }
0x3d: {  	_ =	swait.ge [sflag:s26], $0x1000  }
0x3e: {  	[sflag:s26] =	ssyncset.done $0x0  }
0x3f: {  	[sflag:s26] =	ssyncadd.s32 $0xFFFFF000  }
0x40: {  	_ =	swait.ge [sflag:s26], $0x1000  }
0x41: {  	[sflag:s26] =	ssyncset.done $0x0  }
0x42: {  	[sflag:s26] =	ssyncadd.s32 $0xFFFFF000  }
0x43: {  	_ =	swait.ge [sflag:s26], $0x1000  }
0x44: {  	[sflag:s26] =	ssyncset.done $0x0  }
0x45: {  	[sflag:s26] =	ssyncadd.s32 $0xFFFFF000  }
0x46: {  	_ =	swait.ge [sflag:s26], $0x1000  }
0x47: {  	[sflag:s26] =	ssyncset.done $0x0  }
0x48: {  	[sflag:s26] =	ssyncadd.s32 $0xFFFFF000  }
0x49: {  	_ =	swait.ge [sflag:s26], $0x1000  }
0x4a: {  	[sflag:s26] =	ssyncset.done $0x0  }
0x4b: {  	[sflag:s26] =	ssyncadd.s32 $0xFFFFF000  }
0x4c: {  	_ =	swait.ge [sflag:s26], $0x1000  }
0x4d: {  	[sflag:s26] =	ssyncset.done $0x0  }
0x4e: {  	[sflag:s26] =	ssyncadd.s32 $0xFFFFF000  }
0x4f: {  	_ =	swait.ge [sflag:s26], $0x1000  }
0x50: {  	[sflag:s26] =	ssyncset.done $0x0  }
0x51: {  	[sflag:s26] =	ssyncadd.s32 $0xFFFFF000  }
0x52: {  	_ =	swait.ge [sflag:s26], $0x1000  }
0x53: {  	[sflag:s26] =	ssyncset.done $0x0  }
0x54: {  	[sflag:s26] =	ssyncadd.s32 $0xFFFFF000  }
0x55: {  	_ =	swait.ge [sflag:s26], $0x1000  }
0x56: {  	[sflag:s26] =	ssyncset.done $0x0  }
0x57: {  	[sflag:s26] =	ssyncadd.s32 $0xFFFFF000  }
0x58: {  	_ =	swait.ge [sflag:s26], $0x1000  }
0x59: {  	[sflag:s26] =	ssyncset.done $0x0  }
0x5a: {  	[sflag:s26] =	ssyncadd.s32 $0xFFFFF000  }
0x5b: {  	_ =	swait.ge [sflag:s26], $0x1000  }
0x5c: {  	s5 =	rddreg [dreg:$0x4];
	[sflag:s26] =	ssyncset.done $0x0  }
0x5d: {  	[sflag:s26] =	ssyncadd.s32 $0xFFFFF000;
	s0 =	sadd.s32 $0x0, s5  }
0x5e: {  	[hbm4b:s0+s2] =	stream.linear.scatter [tilespmem:s11], [sflag:$0x2], $0x1000, $0x38;
	[tilespmem:$0xD680] =	vst v63  }
0x5f: {  	s30 =	sadd.s32 $0x40000, s0  }
0x60: {  	[hbm4b:s30+s2] =	stream.linear.scatter [tilespmem:s12], [sflag:$0x2], $0x1000, $0x38;
	[tilespmem:$0xD680] =	vst v63  }
0x61: {  	s30 =	sadd.s32 $0x80000, s0  }
0x62: {  	[hbm4b:s30+s2] =	stream.linear.scatter [tilespmem:s14], [sflag:$0x2], $0x1000, $0x38;
	[tilespmem:$0xD680] =	vst v63  }
0x63: {  	s30 =	sadd.s32 $0xC0000, s0  }
0x64: {  	[hbm4b:s30+s2] =	stream.linear.scatter [tilespmem:s16], [sflag:$0x2], $0x1000, $0x38;
	[tilespmem:$0xD680] =	vst v63  }
0x65: {  	s30 =	sadd.s32 $0x100000, s0  }
0x66: {  	[hbm4b:s30+s2] =	stream.linear.scatter [tilespmem:s17], [sflag:$0x2], $0x1000, $0x38;
	[tilespmem:$0xD680] =	vst v63  }
0x67: {  	s30 =	sadd.s32 $0x140000, s0  }
0x68: {  	[hbm4b:s30+s2] =	stream.linear.scatter [tilespmem:s18], [sflag:$0x2], $0x1000, $0x38;
	[tilespmem:$0xD680] =	vst v63  }
0x69: {  	s30 =	sadd.s32 $0x180000, s0  }
0x6a: {  	[hbm4b:s30+s2] =	stream.linear.scatter [tilespmem:s19], [sflag:$0x2], $0x1000, $0x38;
	[tilespmem:$0xD680] =	vst v63  }
0x6b: {  	s30 =	sadd.s32 $0x1C0000, s0  }
0x6c: {  	[hbm4b:s30+s2] =	stream.linear.scatter [tilespmem:s20], [sflag:$0x2], $0x1000, $0x38;
	[tilespmem:$0xD680] =	vst v63  }
0x6d: {  	s30 =	sadd.s32 $0x200000, s0  }
0x6e: {  	[hbm4b:s30+s2] =	stream.linear.scatter [tilespmem:s21], [sflag:$0x2], $0x1000, $0x38;
	[tilespmem:$0xD680] =	vst v63  }
0x6f: {  	s30 =	sadd.s32 $0x240000, s0  }
0x70: {  	[hbm4b:s30+s2] =	stream.linear.scatter [tilespmem:s22], [sflag:$0x2], $0x1000, $0x38;
	[tilespmem:$0xD680] =	vst v63  }
0x71: {  	s30 =	sadd.s32 $0x280000, s0  }
0x72: {  	[hbm4b:s30+s2] =	stream.linear.scatter [tilespmem:s23], [sflag:$0x2], $0x1000, $0x38;
	[tilespmem:$0xD680] =	vst v63  }
0x73: {  	s30 =	sadd.s32 $0x2C0000, s0  }
0x74: {  	[hbm4b:s30+s2] =	stream.linear.scatter [tilespmem:s24], [sflag:$0x2], $0x1000, $0x38;
	[tilespmem:$0xD680] =	vst v63  }
0x75: {  	s0 =	sadd.s32 $0x300000, s0  }
0x76: {  	[hbm4b:s0+s2] =	stream.linear.scatter [tilespmem:s25], [sflag:$0x2], $0x1000, $0x38;
	[tilespmem:$0xD680] =	vst v63  }
0x77: {  	_ =	swait.ge [sflag:s28], $0x1000  }
0x78: {  	[sflag:s28] =	ssyncset.done $0x0  }
0x79: {  	[sflag:s28] =	ssyncadd.s32 $0xFFFFF000  }
0x7a: {  	_ =	swait.ge [sflag:s28], $0x1000  }
0x7b: {  	[sflag:s28] =	ssyncset.done $0x0  }
0x7c: {  	[sflag:s28] =	ssyncadd.s32 $0xFFFFF000  }
0x7d: {  	_ =	swait.ge [sflag:s28], $0x1000  }
0x7e: {  	[sflag:s28] =	ssyncset.done $0x0  }
0x7f: {  	[sflag:s28] =	ssyncadd.s32 $0xFFFFF000  }
0x80: {  	_ =	swait.ge [sflag:s28], $0x1000  }
0x81: {  	[sflag:s28] =	ssyncset.done $0x0  }
0x82: {  	[sflag:s28] =	ssyncadd.s32 $0xFFFFF000  }
0x83: {  	_ =	swait.ge [sflag:s28], $0x1000  }
0x84: {  	[sflag:s28] =	ssyncset.done $0x0  }
0x85: {  	[sflag:s28] =	ssyncadd.s32 $0xFFFFF000  }
0x86: {  	_ =	swait.ge [sflag:s28], $0x1000  }
0x87: {  	[sflag:s28] =	ssyncset.done $0x0  }
0x88: {  	[sflag:s28] =	ssyncadd.s32 $0xFFFFF000  }
0x89: {  	_ =	swait.ge [sflag:s28], $0x1000  }
0x8a: {  	[sflag:s28] =	ssyncset.done $0x0  }
0x8b: {  	[sflag:s28] =	ssyncadd.s32 $0xFFFFF000  }
0x8c: {  	_ =	swait.ge [sflag:s28], $0x1000  }
0x8d: {  	[sflag:s28] =	ssyncset.done $0x0  }
0x8e: {  	[sflag:s28] =	ssyncadd.s32 $0xFFFFF000  }
0x8f: {  	_ =	swait.ge [sflag:s28], $0x1000  }
0x90: {  	[sflag:s28] =	ssyncset.done $0x0  }
0x91: {  	[sflag:s28] =	ssyncadd.s32 $0xFFFFF000  }
0x92: {  	_ =	swait.ge [sflag:s28], $0x1000  }
0x93: {  	[sflag:s28] =	ssyncset.done $0x0  }
0x94: {  	[sflag:s28] =	ssyncadd.s32 $0xFFFFF000  }
0x95: {  	_ =	swait.ge [sflag:s28], $0x1000  }
0x96: {  	[sflag:s28] =	ssyncset.done $0x0  }
0x97: {  	[sflag:s28] =	ssyncadd.s32 $0xFFFFF000  }
0x98: {  	_ =	swait.ge [sflag:s28], $0x1000  }
0x99: {  	[sflag:s28] =	ssyncset.done $0x0  }
0x9a: {  	[sflag:s28] =	ssyncadd.s32 $0xFFFFF000  }
0x9b: {  	_ =	swait.ge [sflag:s28], $0x1000  }
0x9c: {  	s31 =	smov.u32 s8;
	s30 =	simm.s32 $0x200;
	[sflag:s28] =	ssyncset.done $0x0  }
.LBB2_2:
0x9d: {  	[sflag:s28] =	ssyncadd.s32 $0xFFFFF000;
	s31 =	sadd.s32 $0xD0, s31  }
0x9e: {  	[tilespmem:s2], [sflag:$0x3] =	stream.linear.gather [hbm4b:s31+s2], $0x680, $0x38;
	[tilespmem:$0xD680] =	vst v63  }
0x9f: {  	_ =	swait.ge [sflag:s9], $0x680  }
0xa0: {  	[sflag:s9] =	ssyncset.done $0x0  }
0xa1: {  	[sflag:s9] =	ssyncadd.s32 $0xFFFFF980  }
0xa2: {  	[tilespmem:s11], [sflag:$0x1] =	stream.indirect.gather [hbm4b:s3+s10], $0x20, s2, s10, $0xb8;
	[tilespmem:$0xD680] =	vst v63  }
0xa3: {  	_ = 	snop  }
0xa4: {  	[tilespmem:s12], [sflag:$0x1] =	stream.indirect.gather [hbm4b:s3+s10], $0x20, s10, s10, $0xb8;
	[tilespmem:$0xD680] =	vst v63  }
0xa5: {  	_ = 	snop  }
0xa6: {  	[tilespmem:s14], [sflag:$0x1] =	stream.indirect.gather [hbm4b:s3+s10], $0x20, s13, s10, $0xb8;
	[tilespmem:$0xD680] =	vst v63  }
0xa7: {  	_ = 	snop  }
0xa8: {  	[tilespmem:s16], [sflag:$0x1] =	stream.indirect.gather [hbm4b:s3+s10], $0x20, s15, s10, $0xb8;
	[tilespmem:$0xD680] =	vst v63  }
0xa9: {  	s1 =	rddreg [dreg:$0x5]  }
0xaa: {  	[tilespmem:s17], [sflag:$0x1] =	stream.indirect.gather [hbm4b:s3+s10], $0x20, s1, s10, $0xb8;
	[tilespmem:$0xD680] =	vst v63  }
0xab: {  	s5 =	rddreg [dreg:$0x6]  }
0xac: {  	[tilespmem:s18], [sflag:$0x1] =	stream.indirect.gather [hbm4b:s3+s10], $0x20, s5, s10, $0xb8;
	[tilespmem:$0xD680] =	vst v63  }
0xad: {  	s1 =	rddreg [dreg:$0x7]  }
0xae: {  	[tilespmem:s19], [sflag:$0x1] =	stream.indirect.gather [hbm4b:s3+s10], $0x20, s1, s10, $0xb8;
	[tilespmem:$0xD680] =	vst v63  }
0xaf: {  	s5 =	rddreg [dreg:$0x8]  }
0xb0: {  	[tilespmem:s20], [sflag:$0x1] =	stream.indirect.gather [hbm4b:s3+s10], $0x20, s5, s10, $0xb8;
	[tilespmem:$0xD680] =	vst v63  }
0xb1: {  	s1 =	rddreg [dreg:$0x9]  }
0xb2: {  	[tilespmem:s21], [sflag:$0x1] =	stream.indirect.gather [hbm4b:s3+s10], $0x20, s1, s10, $0xb8;
	[tilespmem:$0xD680] =	vst v63  }
0xb3: {  	s5 =	rddreg [dreg:$0xa]  }
0xb4: {  	[tilespmem:s22], [sflag:$0x1] =	stream.indirect.gather [hbm4b:s3+s10], $0x20, s5, s10, $0xb8;
	[tilespmem:$0xD680] =	vst v63  }
0xb5: {  	s1 =	rddreg [dreg:$0xb]  }
0xb6: {  	[tilespmem:s23], [sflag:$0x1] =	stream.indirect.gather [hbm4b:s3+s10], $0x20, s1, s10, $0xb8;
	[tilespmem:$0xD680] =	vst v63  }
0xb7: {  	s5 =	rddreg [dreg:$0xc]  }
0xb8: {  	[tilespmem:s24], [sflag:$0x1] =	stream.indirect.gather [hbm4b:s3+s10], $0x20, s5, s10, $0xb8;
	[tilespmem:$0xD680] =	vst v63  }
0xb9: {  	s1 =	rddreg [dreg:$0xd]  }
0xba: {  	[tilespmem:s25], [sflag:$0x1] =	stream.indirect.gather [hbm4b:s3+s10], $0x20, s1, s10, $0xb8;
	[tilespmem:$0xD680] =	vst v63  }
0xbb: {  	_ =	swait.ge [sflag:s26], $0x1000  }
0xbc: {  	[sflag:s26] =	ssyncset.done $0x0  }
0xbd: {  	[sflag:s26] =	ssyncadd.s32 $0xFFFFF000  }
0xbe: {  	_ =	swait.ge [sflag:s26], $0x1000  }
0xbf: {  	[sflag:s26] =	ssyncset.done $0x0  }
0xc0: {  	[sflag:s26] =	ssyncadd.s32 $0xFFFFF000  }
0xc1: {  	_ =	swait.ge [sflag:s26], $0x1000  }
0xc2: {  	[sflag:s26] =	ssyncset.done $0x0  }
0xc3: {  	[sflag:s26] =	ssyncadd.s32 $0xFFFFF000  }
0xc4: {  	_ =	swait.ge [sflag:s26], $0x1000  }
0xc5: {  	[sflag:s26] =	ssyncset.done $0x0  }
0xc6: {  	[sflag:s26] =	ssyncadd.s32 $0xFFFFF000  }
0xc7: {  	_ =	swait.ge [sflag:s26], $0x1000  }
0xc8: {  	[sflag:s26] =	ssyncset.done $0x0  }
0xc9: {  	[sflag:s26] =	ssyncadd.s32 $0xFFFFF000  }
0xca: {  	_ =	swait.ge [sflag:s26], $0x1000  }
0xcb: {  	[sflag:s26] =	ssyncset.done $0x0  }
0xcc: {  	[sflag:s26] =	ssyncadd.s32 $0xFFFFF000  }
0xcd: {  	_ =	swait.ge [sflag:s26], $0x1000  }
0xce: {  	[sflag:s26] =	ssyncset.done $0x0  }
0xcf: {  	[sflag:s26] =	ssyncadd.s32 $0xFFFFF000  }
0xd0: {  	_ =	swait.ge [sflag:s26], $0x1000  }
0xd1: {  	[sflag:s26] =	ssyncset.done $0x0  }
0xd2: {  	[sflag:s26] =	ssyncadd.s32 $0xFFFFF000  }
0xd3: {  	_ =	swait.ge [sflag:s26], $0x1000  }
0xd4: {  	[sflag:s26] =	ssyncset.done $0x0  }
0xd5: {  	[sflag:s26] =	ssyncadd.s32 $0xFFFFF000  }
0xd6: {  	_ =	swait.ge [sflag:s26], $0x1000  }
0xd7: {  	[sflag:s26] =	ssyncset.done $0x0  }
0xd8: {  	[sflag:s26] =	ssyncadd.s32 $0xFFFFF000  }
0xd9: {  	_ =	swait.ge [sflag:s26], $0x1000  }
0xda: {  	[sflag:s26] =	ssyncset.done $0x0  }
0xdb: {  	[sflag:s26] =	ssyncadd.s32 $0xFFFFF000  }
0xdc: {  	_ =	swait.ge [sflag:s26], $0x1000  }
0xdd: {  	[sflag:s26] =	ssyncset.done $0x0  }
0xde: {  	[sflag:s26] =	ssyncadd.s32 $0xFFFFF000  }
0xdf: {  	_ =	swait.ge [sflag:s26], $0x1000  }
0xe0: {  	s0 =	smov.u32 s30;
	s5 =	rddreg [dreg:$0x4];
	[sflag:s26] =	ssyncset.done $0x0  }
0xe1: {  	[sflag:s26] =	ssyncadd.s32 $0xFFFFF000;
	s0 =	sadd.s32 s0, s5  }
0xe2: {  	[hbm4b:s0+s2] =	stream.linear.scatter [tilespmem:s11], [sflag:$0x2], $0x1000, $0x38;
	[tilespmem:$0xD680] =	vst v63  }
0xe3: {  	s1 =	sadd.s32 $0x40000, s0  }
0xe4: {  	[hbm4b:s1+s2] =	stream.linear.scatter [tilespmem:s12], [sflag:$0x2], $0x1000, $0x38;
	[tilespmem:$0xD680] =	vst v63  }
0xe5: {  	s5 =	sadd.s32 $0x80000, s0  }
0xe6: {  	[hbm4b:s5+s2] =	stream.linear.scatter [tilespmem:s14], [sflag:$0x2], $0x1000, $0x38;
	[tilespmem:$0xD680] =	vst v63  }
0xe7: {  	s5 =	sadd.s32 $0xC0000, s0  }
0xe8: {  	[hbm4b:s5+s2] =	stream.linear.scatter [tilespmem:s16], [sflag:$0x2], $0x1000, $0x38;
	[tilespmem:$0xD680] =	vst v63  }
0xe9: {  	s5 =	sadd.s32 $0x100000, s0  }
0xea: {  	[hbm4b:s5+s2] =	stream.linear.scatter [tilespmem:s17], [sflag:$0x2], $0x1000, $0x38;
	[tilespmem:$0xD680] =	vst v63  }
0xeb: {  	s5 =	sadd.s32 $0x140000, s0  }
0xec: {  	[hbm4b:s5+s2] =	stream.linear.scatter [tilespmem:s18], [sflag:$0x2], $0x1000, $0x38;
	[tilespmem:$0xD680] =	vst v63  }
0xed: {  	s5 =	sadd.s32 $0x180000, s0  }
0xee: {  	[hbm4b:s5+s2] =	stream.linear.scatter [tilespmem:s19], [sflag:$0x2], $0x1000, $0x38;
	[tilespmem:$0xD680] =	vst v63  }
0xef: {  	s5 =	sadd.s32 $0x1C0000, s0  }
0xf0: {  	[hbm4b:s5+s2] =	stream.linear.scatter [tilespmem:s20], [sflag:$0x2], $0x1000, $0x38;
	[tilespmem:$0xD680] =	vst v63  }
0xf1: {  	s5 =	sadd.s32 $0x200000, s0  }
0xf2: {  	[hbm4b:s5+s2] =	stream.linear.scatter [tilespmem:s21], [sflag:$0x2], $0x1000, $0x38;
	[tilespmem:$0xD680] =	vst v63  }
0xf3: {  	s5 =	sadd.s32 $0x240000, s0  }
0xf4: {  	[hbm4b:s5+s2] =	stream.linear.scatter [tilespmem:s22], [sflag:$0x2], $0x1000, $0x38;
	[tilespmem:$0xD680] =	vst v63  }
0xf5: {  	s5 =	sadd.s32 $0x280000, s0  }
0xf6: {  	[hbm4b:s5+s2] =	stream.linear.scatter [tilespmem:s23], [sflag:$0x2], $0x1000, $0x38;
	[tilespmem:$0xD680] =	vst v63  }
0xf7: {  	s5 =	sadd.s32 $0x2C0000, s0  }
0xf8: {  	[hbm4b:s5+s2] =	stream.linear.scatter [tilespmem:s24], [sflag:$0x2], $0x1000, $0x38;
	[tilespmem:$0xD680] =	vst v63  }
0xf9: {  	s0 =	sadd.s32 $0x300000, s0  }
0xfa: {  	[hbm4b:s0+s2] =	stream.linear.scatter [tilespmem:s25], [sflag:$0x2], $0x1000, $0x38;
	[tilespmem:$0xD680] =	vst v63  }
0xfb: {  	_ =	swait.ge [sflag:s28], $0x1000  }
0xfc: {  	[sflag:s28] =	ssyncset.done $0x0  }
0xfd: {  	[sflag:s28] =	ssyncadd.s32 $0xFFFFF000  }
0xfe: {  	_ =	swait.ge [sflag:s28], $0x1000  }
0xff: {  	[sflag:s28] =	ssyncset.done $0x0  }
0x100: {  	[sflag:s28] =	ssyncadd.s32 $0xFFFFF000  }
0x101: {  	_ =	swait.ge [sflag:s28], $0x1000  }
0x102: {  	[sflag:s28] =	ssyncset.done $0x0  }
0x103: {  	[sflag:s28] =	ssyncadd.s32 $0xFFFFF000  }
0x104: {  	_ =	swait.ge [sflag:s28], $0x1000  }
0x105: {  	[sflag:s28] =	ssyncset.done $0x0  }
0x106: {  	[sflag:s28] =	ssyncadd.s32 $0xFFFFF000  }
0x107: {  	_ =	swait.ge [sflag:s28], $0x1000  }
0x108: {  	[sflag:s28] =	ssyncset.done $0x0  }
0x109: {  	[sflag:s28] =	ssyncadd.s32 $0xFFFFF000  }
0x10a: {  	_ =	swait.ge [sflag:s28], $0x1000  }
0x10b: {  	[sflag:s28] =	ssyncset.done $0x0  }
0x10c: {  	[sflag:s28] =	ssyncadd.s32 $0xFFFFF000  }
0x10d: {  	_ =	swait.ge [sflag:s28], $0x1000  }
0x10e: {  	[sflag:s28] =	ssyncset.done $0x0  }
0x10f: {  	[sflag:s28] =	ssyncadd.s32 $0xFFFFF000  }
0x110: {  	_ =	swait.ge [sflag:s28], $0x1000  }
0x111: {  	[sflag:s28] =	ssyncset.done $0x0  }
0x112: {  	[sflag:s28] =	ssyncadd.s32 $0xFFFFF000  }
0x113: {  	_ =	swait.ge [sflag:s28], $0x1000  }
0x114: {  	[sflag:s28] =	ssyncset.done $0x0  }
0x115: {  	[sflag:s28] =	ssyncadd.s32 $0xFFFFF000  }
0x116: {  	_ =	swait.ge [sflag:s28], $0x1000  }
0x117: {  	[sflag:s28] =	ssyncset.done $0x0  }
0x118: {  	[sflag:s28] =	ssyncadd.s32 $0xFFFFF000  }
0x119: {  	_ =	swait.ge [sflag:s28], $0x1000  }
0x11a: {  	[sflag:s28] =	ssyncset.done $0x0  }
0x11b: {  	p0 =	sne.s32 s30, $0x1E00;
	[sflag:s28] =	ssyncadd.s32 $0xFFFFF000  }
.Ltmp0:
0x11c: {  	_ =	swait.ge [sflag:s28], $0x1000;
	(pc) =	sbr.rel @p0 .LBB2_2-.Ltmp0, $4  }
0x11d: {  	[sflag:s28] =	ssyncset.done $0x0  }
0x11e: {  	[sflag:s28] =	ssyncadd.s32 $0xFFFFF000  }
0x11f: {  	_ =	swait.ge [sflag:s28], $0x1000  }
0x120: {  	s30 =	sadd.s32 $0x200, s30;
	[sflag:s28] =	ssyncset.done $0x0  }
0x121: {  	[sflag:s28] =	ssyncadd.s32 $0xFFFFF000;
	s0 =	rddreg [dreg:$0xe]  }
0x122: {  	[tilespmem:s2], [sflag:$0x3] =	stream.linear.gather [hbm4b:s0+s2], $0x200, $0x38;
	[tilespmem:$0xD680] =	vst v63  }
0x123: {  	_ =	swait.ge [sflag:s9], $0x200  }
0x124: {  	[sflag:s9] =	ssyncset.done $0x0  }
0x125: {  	[sflag:s9] =	ssyncadd.s32 $0xFFFFFE00  }
0x126: {  	[tilespmem:s11], [sflag:$0x1] =	stream.indirect.gather [hbm4b:s4+s10], $0x20, s2, s10, $0xb8;
	[tilespmem:$0xD680] =	vst v63  }
0x127: {  	_ = 	snop  }
0x128: {  	[tilespmem:s12], [sflag:$0x1] =	stream.indirect.gather [hbm4b:s4+s10], $0x20, s10, s10, $0xb8;
	[tilespmem:$0xD680] =	vst v63  }
0x129: {  	_ = 	snop  }
0x12a: {  	[tilespmem:s14], [sflag:$0x1] =	stream.indirect.gather [hbm4b:s4+s10], $0x20, s13, s10, $0xb8;
	[tilespmem:$0xD680] =	vst v63  }
0x12b: {  	_ = 	snop  }
0x12c: {  	[tilespmem:s16], [sflag:$0x1] =	stream.indirect.gather [hbm4b:s4+s10], $0x20, s15, s10, $0xb8;
	[tilespmem:$0xD680] =	vst v63  }
0x12d: {  	_ =	swait.ge [sflag:s26], $0x1000  }
0x12e: {  	[sflag:s26] =	ssyncset.done $0x0  }
0x12f: {  	[sflag:s26] =	ssyncadd.s32 $0xFFFFF000  }
0x130: {  	_ =	swait.ge [sflag:s26], $0x1000  }
0x131: {  	[sflag:s26] =	ssyncset.done $0x0  }
0x132: {  	[sflag:s26] =	ssyncadd.s32 $0xFFFFF000  }
0x133: {  	_ =	swait.ge [sflag:s26], $0x1000  }
0x134: {  	[sflag:s26] =	ssyncset.done $0x0  }
0x135: {  	[sflag:s26] =	ssyncadd.s32 $0xFFFFF000  }
0x136: {  	s29 =	sadd.s32 $0x1, s29;
	_ =	swait.ge [sflag:s26], $0x1000  }
0x137: {  	p0 =	sne.s32 s29, s7;
	[sflag:s26] =	ssyncset.done $0x0  }
.Ltmp1:
0x138: {  	[sflag:s26] =	ssyncadd.s32 $0xFFFFF000;
	(pc) =	sbr.rel @p0 .LBB2_1-.Ltmp1, $4  }
0x139: {  	[hbm4b:s6+s2] =	stream.linear.scatter [tilespmem:s11], [sflag:$0x3], $0x4000, $0x38;
	[tilespmem:$0xD680] =	vst v63  }
0x13a: {  	_ =	swait.ge [sflag:s9], $0x4000  }
0x13b: {  	[sflag:s9] =	ssyncset.done $0x0  }
0x13c: {  	[sflag:s9] =	ssyncadd.s32 $0xFFFFC000  }
0x13d: {  	_ =	sfence.sel $0x180000  }
0x13e: {  	[bflag:$0x0] =	sbarrier.arrive $0xFFFF  }
0x13f: {  	_ =	strace $0x90000047  }
0x140: {  	s0 =	stileid.u32;
	[bflag:$0x2] =	sbarrier.arrive $0xFFFF  }
0x141: {  	p0 =	sne.s32 s0, $0x0;
	s0 =	rddreg [dreg:$0x3]  }
0x142: {  	s0 =	sadd.s32 @!p0 $0x100000, s0  }
0x143: {  	[sflag:s0] =	ssyncadd.tile.s32 @!p0 $0x1;
	_ =	shalt  }
.Lfunc_end2:
_tile_overlayer_lowered:
.L_overlay_start_2:
0x144: {  	(tag) =	ssettag $0x2  }
0x145: {  	s0 =	rddreg [dreg:$0x0];
	s2 =	stileid.u32  }
0x146: {  	s1 =	rddreg [dreg:$0x1];
	p0 =	sne.s32 s2, $0x0  }
0x147: {  	s3 =	rddreg [dreg:$0x2];
	[bflag:$0x3] =	sbarrier.arrive $0xFFFF;
	s2 =	simm.s32 @!p0 $0x1C03  }
0x148: {  	[timem:s3], [sflag:s2] =	dma.local @!p0 [hbm:s0], s1  }
0x149: {  	s0 =	simm.s32 @!p0 $0x3  }
0x14a: {  	_ =	swait.ge @!p0 [sflag:s0], s1  }
0x14b: {  	s1 =	ssub.s32 @!p0 $0x0, s1;
	[sflag:s0] =	ssyncset.done @!p0 $0x0  }
0x14c: {  	[sflag:s0] =	ssyncadd.s32 @!p0 s1  }
0x14d: {  	[bflag:$0x3] =	sbarrier.arrive $0xFFFF  }
0x14e: {  	_ =	shalt  }

</sc_bundles>
